<compile_context>
chip_gen: v7x
topology: tpu7x:2x2x1
jax: 0.10.2.dev20260603
libtpu: 0.0.44.dev20260713+nightly
codegen_flags: <defaults>
</compile_context>

<pallas_src>
import functools

import jax
import jax.numpy as jnp
from jax import lax
from jax.experimental import pallas as pl
from jax.experimental.pallas import tpu as pltpu
from jax.experimental.pallas import tpu_sc as plsc

_N = 5000
_NPAD = 5120
_C = 256
_T = _NPAD // _C
_BIG = 1e9

_T0 = 14
_R0 = _T0 * _C

_L = 16
_NW = 32
_NCHUNK = _NPAD // _L
_ROWS_PER_W = (_NPAD - _R0) // _NW


def _tc_kernel(box1_ref, b2c_ref, tri_ref, sumia_ref, cov2_ref, cols_ref, rows_ref):
    b1x1 = box1_ref[0:1, 0:1]
    b1y1 = box1_ref[0:1, 1:2]
    b1x2 = box1_ref[0:1, 2:3]
    b1y2 = box1_ref[0:1, 3:4]

    x1c = b2c_ref[0:1, :]
    y1c = b2c_ref[1:2, :]
    x2c = b2c_ref[2:3, :]
    y2c = b2c_ref[3:4, :]

    ix1 = jnp.maximum(b1x1, x1c)
    iy1 = jnp.maximum(b1y1, y1c)
    ix2 = jnp.minimum(b1x2, x2c)
    iy2 = jnp.minimum(b1y2, y2c)
    ia = jnp.maximum(ix2 - ix1 + 1.0, 0.0) * jnp.maximum(iy2 - iy1 + 1.0, 0.0)
    valid = ia > 0.0
    cols_ref[0:1, :] = jnp.where(valid, ix1, _BIG)
    cols_ref[1:2, :] = jnp.where(valid, iy1, _BIG)
    cols_ref[2:3, :] = jnp.where(valid, ix2, -_BIG) + 1.0
    cols_ref[3:4, :] = jnp.where(valid, iy2, -_BIG) + 1.0

    b2area = (x2c - x1c + 1.0) * (y2c - y1c + 1.0)
    cov2_ref[...] = ia / b2area

    sumia_ref[...] = jnp.sum(ia).reshape(1, 1)
    sum_ia_front = jnp.sum(ia[:, :_R0])

    zvec = jnp.zeros((1, _C), jnp.float32)

    def outer(i, carry):
        a_up, a_diag = carry
        rs = pl.ds(i * _C, _C)
        rows_ref[0:_C, :] = jnp.broadcast_to(cols_ref[0:1, rs], (_C, _C)).T
        rows_ref[_C : 2 * _C, :] = jnp.broadcast_to(cols_ref[1:2, rs], (_C, _C)).T
        rows_ref[2 * _C : 3 * _C, :] = jnp.broadcast_to(cols_ref[2:3, rs], (_C, _C)).T
        rows_ref[3 * _C : 4 * _C, :] = jnp.broadcast_to(cols_ref[3:4, rs], (_C, _C)).T

        def inner(j, carry2):
            su, sd = carry2
            cs = pl.ds(j * _C, _C)
            cx1 = cols_ref[0:1, cs]
            cy1 = cols_ref[1:2, cs]
            cx2p = cols_ref[2:3, cs]
            cy2p = cols_ref[3:4, cs]
            t = jnp.zeros((1, _C), jnp.float32)
            for s in range(0, _C, 64):
                x_ext = jnp.maximum(
                    rows_ref[2 * _C + s : 2 * _C + s + 64, :], cx2p
                ) - jnp.maximum(rows_ref[s : s + 64, :], cx1)
                y_ext = jnp.maximum(
                    rows_ref[3 * _C + s : 3 * _C + s + 64, :], cy2p
                ) - jnp.maximum(rows_ref[_C + s : _C + s + 64, :], cy1)
                p = jnp.maximum(x_ext, 0.0) * jnp.maximum(y_ext, 0.0)
                t = t + jnp.sum(p, axis=0, keepdims=True)
            is_diag = j == i
            su = su + jnp.where(is_diag, zvec, t)
            sd = sd + jnp.where(is_diag, t, zvec)
            return su, sd

        return lax.fori_loop(i, _T, inner, (a_up, a_diag))

    a_up, a_diag = lax.fori_loop(0, _T0, outer, (zvec, zvec))
    s_up = jnp.sum(a_up)
    s_diag = jnp.sum(a_diag)

    tri_ref[...] = (s_up + (s_diag - sum_ia_front) * 0.5).reshape(1, 1)


def _sc_kernel(b1_hbm, b2f_hbm, out_hbm, b1_v, raw_v, cols_v, acc_v):
    wid = lax.axis_index("s") * 2 + lax.axis_index("c")
    pltpu.sync_copy(b1_hbm, b1_v)
    pltpu.sync_copy(b2f_hbm, raw_v)

    b1vec = b1_v[...]
    b1x1 = jnp.full((_L,), b1vec[0], jnp.float32)
    b1y1 = jnp.full((_L,), b1vec[1], jnp.float32)
    b1x2 = jnp.full((_L,), b1vec[2], jnp.float32)
    b1y2 = jnp.full((_L,), b1vec[3], jnp.float32)

    def mask_body(k, carry):
        o = k * _L
        x1 = raw_v[pl.ds(o, _L)]
        y1 = raw_v[pl.ds(_NPAD + o, _L)]
        x2 = raw_v[pl.ds(2 * _NPAD + o, _L)]
        y2 = raw_v[pl.ds(3 * _NPAD + o, _L)]
        ix1 = jnp.maximum(b1x1, x1)
        iy1 = jnp.maximum(b1y1, y1)
        ix2 = jnp.minimum(b1x2, x2)
        iy2 = jnp.minimum(b1y2, y2)
        ia = jnp.maximum(ix2 - ix1 + 1.0, 0.0) * jnp.maximum(iy2 - iy1 + 1.0, 0.0)
        v = ia > 0.0
        cols_v[pl.ds(o, _L)] = jnp.where(v, ix1, _BIG)
        cols_v[pl.ds(_NPAD + o, _L)] = jnp.where(v, iy1, _BIG)
        cols_v[pl.ds(2 * _NPAD + o, _L)] = jnp.where(v, ix2, -_BIG) + 1.0
        cols_v[pl.ds(3 * _NPAD + o, _L)] = jnp.where(v, iy2, -_BIG) + 1.0
        return carry

    lax.fori_loop(_R0 // _L, _NCHUNK, mask_body, 0)

    zero = jnp.zeros((_L,), jnp.float32)

    def row_body(m, acc):
        base = _R0 + wid + m * (4 * _NW)
        rows = []
        for q in range(4):
            ridx = jnp.full((_L,), base + q * _NW, jnp.int32)
            rows.append(
                (
                    plsc.load_gather(cols_v, [ridx]),
                    plsc.load_gather(cols_v, [ridx + _NPAD]),
                    plsc.load_gather(cols_v, [ridx + 2 * _NPAD]),
                    plsc.load_gather(cols_v, [ridx + 3 * _NPAD]),
                )
            )

        def chunk_sum4(k):
            o = k * _L
            cx1 = cols_v[pl.ds(o, _L)]
            cy1 = cols_v[pl.ds(_NPAD + o, _L)]
            cx2p = cols_v[pl.ds(2 * _NPAD + o, _L)]
            cy2p = cols_v[pl.ds(3 * _NPAD + o, _L)]
            t = None
            for rx1, ry1, rx2p, ry2p in rows:
                x_ext = jnp.maximum(rx2p, cx2p) - jnp.maximum(rx1, cx1)
                y_ext = jnp.maximum(ry2p, cy2p) - jnp.maximum(ry1, cy1)
                p = jnp.maximum(x_ext, 0.0) * jnp.maximum(y_ext, 0.0)
                t = p if t is None else t + p
            return t

        kb0 = (base // (8 * _L)) * 8
        for q in range(8):
            acc = acc + 0.5 * chunk_sum4(kb0 + q)

        def tail(k, a):
            return a + chunk_sum4(k)

        return lax.fori_loop(kb0 + 8, _NCHUNK, tail, acc)

    acc = lax.fori_loop(0, _ROWS_PER_W // 4, row_body, zero)

    def ia_body(k, a):
        o = k * _L
        x1 = raw_v[pl.ds(o, _L)]
        y1 = raw_v[pl.ds(_NPAD + o, _L)]
        x2 = raw_v[pl.ds(2 * _NPAD + o, _L)]
        y2 = raw_v[pl.ds(3 * _NPAD + o, _L)]
        ia = jnp.maximum(
            jnp.minimum(b1x2, x2) - jnp.maximum(b1x1, x1) + 1.0, 0.0
        ) * jnp.maximum(jnp.minimum(b1y2, y2) - jnp.maximum(b1y1, y1) + 1.0, 0.0)
        return a - 0.5 * ia

    @pl.when(wid == 0)
    def _():
        acc_v[...] = lax.fori_loop(_R0 // _L, _NCHUNK, ia_body, acc)

    @pl.when(wid != 0)
    def _():
        acc_v[...] = acc

    pltpu.sync_copy(acc_v, out_hbm.at[wid])


def kernel(box1, box2):
    box1 = box1.astype(jnp.float32)
    pad = jnp.tile(
        jnp.array([[_BIG, _BIG, -_BIG, -_BIG]], dtype=jnp.float32),
        (_NPAD - _N, 1),
    )
    b2p = jnp.concatenate([box2.astype(jnp.float32), pad], axis=0)
    b2c = b2p.T

    b1_flat = jnp.pad(box1.reshape(4), (0, 12))
    b2_flat = b2c.reshape(-1)

    sc_call = functools.partial(
        pl.kernel,
        mesh=plsc.VectorSubcoreMesh(core_axis_name="c", subcore_axis_name="s"),
        out_type=jax.ShapeDtypeStruct((_NW, _L), jnp.float32),
        compiler_params=pltpu.CompilerParams(needs_layout_passes=False),
        scratch_types=[
            pltpu.VMEM((_L,), jnp.float32),
            pltpu.VMEM((4 * _NPAD,), jnp.float32),
            pltpu.VMEM((4 * _NPAD,), jnp.float32),
            pltpu.VMEM((_L,), jnp.float32),
        ],
    )(_sc_kernel)
    sc_parts = sc_call(b1_flat, b2_flat)

    tri_tc, sumia, cov2 = pl.pallas_call(
        _tc_kernel,
        out_shape=[
            jax.ShapeDtypeStruct((1, 1), jnp.float32),
            jax.ShapeDtypeStruct((1, 1), jnp.float32),
            jax.ShapeDtypeStruct((1, _NPAD), jnp.float32),
        ],
        scratch_shapes=[
            pltpu.VMEM((8, _NPAD), jnp.float32),
            pltpu.VMEM((4 * _C, _C), jnp.float32),
        ],
    )(box1, b2c)

    tri = tri_tc[0, 0] + jnp.sum(sc_parts)
    b1_area = (box1[:, 2] - box1[:, 0] + 1.0) * (box1[:, 3] - box1[:, 1] + 1.0)
    cov1 = (sumia[0, 0] - tri) / b1_area
    return cov1, cov2[0, :_N]

# --- scband reference (transcript-rebuilt; emitter-appended) ---
"""Pipeline reference for scband-oversegment-loss-4054449127601 (READ-ONLY COPY).

The authoritative reference and input builder live on the scoring server;
editing this copy changes nothing except your own understanding.
"""

import jax, jax.numpy as jnp
import numpy as np

N = 5000
BIG = 1e9

def setup_inputs(seed: int = 0) -> dict:
    key = jax.random.key(seed)
    k1, k2, k3, k4 = jax.random.split(key, 4)
    # box1: one large ground-truth box roughly covering the center of a 100x100 scene
    c1 = jax.random.uniform(k1, (1, 2), dtype=jnp.float32) * 20.0 + 40.0
    s1 = jax.random.uniform(k2, (1, 2), dtype=jnp.float32) * 30.0 + 30.0
    box1 = jnp.concatenate([c1 - s1, c1 + s1], axis=1)
    # box2: N predicted boxes (x1,y1,x2,y2) scattered over the scene, many overlapping box1
    xy = jax.random.uniform(k3, (N, 2), dtype=jnp.float32) * 100.0
    wh = jax.random.uniform(k4, (N, 2), dtype=jnp.float32) * 10.0 + 1.0
    box2 = jnp.concatenate([xy, xy + wh], axis=1)
    return {"box1": box1.astype(jnp.float32), "box2": box2.astype(jnp.float32)}


def reference(box1, box2):
    # Faithful JAX port of bbox_coverage (x1y1x2y2 corner format path).
    b1_x1, b1_y1, b1_x2, b1_y2 = box1[:, 0], box1[:, 1], box1[:, 2], box1[:, 3]
    b2_x1, b2_y1, b2_x2, b2_y2 = box2[:, 0], box2[:, 1], box2[:, 2], box2[:, 3]
    inter_rect_x1 = jnp.maximum(b1_x1, b2_x1)
    inter_rect_y1 = jnp.maximum(b1_y1, b2_y1)
    inter_rect_x2 = jnp.minimum(b1_x2, b2_x2)
    inter_rect_y2 = jnp.minimum(b1_y2, b2_y2)
    inter_area = jnp.maximum(inter_rect_x2 - inter_rect_x1 + 1, 0) * jnp.maximum(inter_rect_y2 - inter_rect_y1 + 1, 0)
    b1_area = (b1_x2 - b1_x1 + 1) * (b1_y2 - b1_y1 + 1)
    b2_area = (b2_x2 - b2_x1 + 1) * (b2_y2 - b2_y1 + 1)
    # Original code boolean-compresses rects with inter_area > 0. We instead mask with
    # degenerate sentinels (static shapes); masked rows/cols contribute exactly 0 to the
    # intersection-of-intersections sum, so the result is numerically identical.
    valid = inter_area > 0
    mx1 = jnp.where(valid, inter_rect_x1, BIG)
    my1 = jnp.where(valid, inter_rect_y1, BIG)
    mx2 = jnp.where(valid, inter_rect_x2, -BIG)
    my2 = jnp.where(valid, inter_rect_y2, -BIG)
    ii_x1 = jnp.maximum(mx1[None, :], mx1[:, None])
    ii_y1 = jnp.maximum(my1[None, :], my1[:, None])
    # NOTE: original torch code uses torch.max (not min) for x2/y2 -- bug preserved for fidelity.
    ii_x2 = jnp.maximum(mx2[None, :], mx2[:, None])
    ii_y2 = jnp.maximum(my2[None, :], my2[:, None])
    inter_inter_area = jnp.maximum(ii_x2 - ii_x1 + 1, 0) * jnp.maximum(ii_y2 - ii_y1 + 1, 0)
    intersections_of_intersections_area = jnp.sum(jnp.triu(inter_inter_area, k=1))
    box1_coverage = (jnp.sum(inter_area) - intersections_of_intersections_area) / b1_area
    box2_coverage = inter_area / b2_area
    return box1_coverage, box2_coverage

if __name__ == "__main__":
    import jax
    _d = setup_inputs()
    print(jax.jit(kernel)(*tuple(_d.values())))

</pallas_src>

<mosaic_0001>
#map = affine_map<(d0, d1) -> (0)>
#map1 = affine_map<(d0, d1) -> (0, 0)>
module attributes {stable_mosaic.version = 14 : i64} {
  func.func @_sc_kernel(%arg0: i32, %arg1: i32, %arg2: memref<16xf32, #tpu.memory_space<hbm>>, %arg3: memref<20480xf32, #tpu.memory_space<hbm>>, %arg4: memref<32x16xf32, #tpu.memory_space<hbm>>, %arg5: memref<16xf32, #tpu.memory_space<vmem>>, %arg6: memref<20480xf32, #tpu.memory_space<vmem>>, %arg7: memref<20480xf32, #tpu.memory_space<vmem>>, %arg8: memref<16xf32, #tpu.memory_space<vmem>>) attributes {dimension_semantics = [#tpu.dimension_semantics<core_parallel>, #tpu.dimension_semantics<subcore_parallel>], iteration_bounds = array<i64: 2, 16>, scalar_prefetch = 0 : i64, scratch_operands = 4 : i64, tpu.core_type = #tpu.core_type<sc_vector_subcore>, window_params = [{transform_indices = #map}, {transform_indices = #map}, {transform_indices = #map1}]} {
    %mul3A = arith.constant 2 : i32
    %mul3A_0 = arith.muli %arg1, %mul3A : i32
    %add3A = arith.addi %mul3A_0, %arg0 : i32
    "tpu.region"() ({
      %run_scoped3A = tpu.sem_alloc : memref<!tpu.dma_semaphore, #tpu.memory_space<semaphore_mem>>
      tpu.enqueue_dma source(%arg2 : memref<16xf32, #tpu.memory_space<hbm>>) target(%arg5 : memref<16xf32, #tpu.memory_space<vmem>>) target_semaphore(%run_scoped3A : memref<!tpu.dma_semaphore, #tpu.memory_space<semaphore_mem>>)
      tpu.wait_dma2 semaphore(%run_scoped3A : memref<!tpu.dma_semaphore, #tpu.memory_space<semaphore_mem>>) src(%arg2 : memref<16xf32, #tpu.memory_space<hbm>>) dst(%arg5 : memref<16xf32, #tpu.memory_space<vmem>>)
      tpu.yield
    }) : () -> ()
    "tpu.region"() ({
      %run_scoped3A = tpu.sem_alloc : memref<!tpu.dma_semaphore, #tpu.memory_space<semaphore_mem>>
      tpu.enqueue_dma source(%arg3 : memref<20480xf32, #tpu.memory_space<hbm>>) target(%arg6 : memref<20480xf32, #tpu.memory_space<vmem>>) target_semaphore(%run_scoped3A : memref<!tpu.dma_semaphore, #tpu.memory_space<semaphore_mem>>)
      tpu.wait_dma2 semaphore(%run_scoped3A : memref<!tpu.dma_semaphore, #tpu.memory_space<semaphore_mem>>) src(%arg3 : memref<20480xf32, #tpu.memory_space<hbm>>) dst(%arg6 : memref<20480xf32, #tpu.memory_space<vmem>>)
      tpu.yield
    }) : () -> ()
    %get3A = arith.constant 0 : index
    %get3A_1 = tpu.vector_load %arg5[%get3A] {strides = array<i32>} : memref<16xf32, #tpu.memory_space<vmem>>, vector<16xf32>,
    %slice3A = vector.extract_strided_slice %get3A_1 {offsets = [0], sizes = [1], strides = [1]} : vector<16xf32> to vector<1xf32>
    %squeeze3A = vector.extract %slice3A[0] : f32 from vector<1xf32>
    %broadcast_in_dim3A = vector.broadcast %squeeze3A : f32 to vector<16xf32>
    %slice3A_2 = vector.extract_strided_slice %get3A_1 {offsets = [1], sizes = [1], strides = [1]} : vector<16xf32> to vector<1xf32>
    %squeeze3A_3 = vector.extract %slice3A_2[0] : f32 from vector<1xf32>
    %broadcast_in_dim3A_4 = vector.broadcast %squeeze3A_3 : f32 to vector<16xf32>
    %slice3A_5 = vector.extract_strided_slice %get3A_1 {offsets = [2], sizes = [1], strides = [1]} : vector<16xf32> to vector<1xf32>
    %squeeze3A_6 = vector.extract %slice3A_5[0] : f32 from vector<1xf32>
    %broadcast_in_dim3A_7 = vector.broadcast %squeeze3A_6 : f32 to vector<16xf32>
    %slice3A_8 = vector.extract_strided_slice %get3A_1 {offsets = [3], sizes = [1], strides = [1]} : vector<16xf32> to vector<1xf32>
    %squeeze3A_9 = vector.extract %slice3A_8[0] : f32 from vector<1xf32>
    %broadcast_in_dim3A_10 = vector.broadcast %squeeze3A_9 : f32 to vector<16xf32>
    %scan3A = arith.constant 0 : i32
    %scan3A_11 = arith.constant 224 : i32
    %scan3A_12 = arith.constant 96 : i32
    %scan3A_13 = arith.addi %scan3A_11, %scan3A_12 : i32
    %scan3A_14 = arith.constant 1 : i32
    scf.for %scan3A_30 = %scan3A_11 to %scan3A_13 step %scan3A_14  : i32 {
      %mul3A_31 = arith.constant 16 : i32
      %mul3A_32 = arith.muli %scan3A_30, %mul3A_31 : i32
      %get3A_33 = arith.index_cast %mul3A_32 : i32 to index
      %get3A_34 = tpu.vector_load %arg6[%get3A_33] {strides = array<i32>} : memref<20480xf32, #tpu.memory_space<vmem>>, vector<16xf32>,
      %add3A_35 = arith.constant 5120 : i32
      %add3A_36 = arith.addi %add3A_35, %mul3A_32 : i32
      %get3A_37 = arith.index_cast %add3A_36 : i32 to index
      %get3A_38 = tpu.vector_load %arg6[%get3A_37] {strides = array<i32>} : memref<20480xf32, #tpu.memory_space<vmem>>, vector<16xf32>,
      %add3A_39 = arith.constant 10240 : i32
      %add3A_40 = arith.addi %add3A_39, %mul3A_32 : i32
      %get3A_41 = arith.index_cast %add3A_40 : i32 to index
      %get3A_42 = tpu.vector_load %arg6[%get3A_41] {strides = array<i32>} : memref<20480xf32, #tpu.memory_space<vmem>>, vector<16xf32>,
      %add3A_43 = arith.constant 15360 : i32
      %add3A_44 = arith.addi %add3A_43, %mul3A_32 : i32
      %get3A_45 = arith.index_cast %add3A_44 : i32 to index
      %get3A_46 = tpu.vector_load %arg6[%get3A_45] {strides = array<i32>} : memref<20480xf32, #tpu.memory_space<vmem>>, vector<16xf32>,
      %max3A = arith.maximumf %broadcast_in_dim3A, %get3A_34 : vector<16xf32>
      %max3A_47 = arith.maximumf %broadcast_in_dim3A_4, %get3A_38 : vector<16xf32>
      %min3A = arith.minimumf %broadcast_in_dim3A_7, %get3A_42 : vector<16xf32>
      %min3A_48 = arith.minimumf %broadcast_in_dim3A_10, %get3A_46 : vector<16xf32>
      %sub3A = arith.subf %min3A, %max3A : vector<16xf32>
      %add3A_49 = arith.constant 1.000000e+00 : f32
      %add3A_50 = vector.broadcast %add3A_49 : f32 to vector<16xf32>
      %add3A_51 = arith.addf %sub3A, %add3A_50 : vector<16xf32>
      %max3A_52 = arith.constant 0.000000e+00 : f32
      %max3A_53 = vector.broadcast %max3A_52 : f32 to vector<16xf32>
      %max3A_54 = arith.maximumf %add3A_51, %max3A_53 : vector<16xf32>
      %sub3A_55 = arith.subf %min3A_48, %max3A_47 : vector<16xf32>
      %add3A_56 = arith.constant 1.000000e+00 : f32
      %add3A_57 = vector.broadcast %add3A_56 : f32 to vector<16xf32>
      %add3A_58 = arith.addf %sub3A_55, %add3A_57 : vector<16xf32>
      %max3A_59 = arith.constant 0.000000e+00 : f32
      %max3A_60 = vector.broadcast %max3A_59 : f32 to vector<16xf32>
      %max3A_61 = arith.maximumf %add3A_58, %max3A_60 : vector<16xf32>
      %mul3A_62 = arith.mulf %max3A_54, %max3A_61 : vector<16xf32>
      %gt3A = arith.constant 0.000000e+00 : f32
      %gt3A_63 = vector.broadcast %gt3A : f32 to vector<16xf32>
      %gt3A_64 = arith.cmpf ogt, %mul3A_62, %gt3A_63 : vector<16xf32>
      %jit3A = arith.constant 1.000000e+09 : f32
      %broadcast_in_dim3A_65 = vector.broadcast %jit3A : f32 to vector<16xf32>
      %select_n3A = arith.select %gt3A_64, %max3A, %broadcast_in_dim3A_65 : vector<16xi1>, vector<16xf32>
      %swap3A = arith.index_cast %mul3A_32 : i32 to index
      %swap3A_66 = tpu.vector_load %arg7[%swap3A] {strides = array<i32>} : memref<20480xf32, #tpu.memory_space<vmem>>, vector<16xf32>,
      tpu.vector_store %arg7[%swap3A], %select_n3A {strides = array<i32>} : memref<20480xf32, #tpu.memory_space<vmem>>, vector<16xf32>,
      %jit3A_67 = arith.constant 1.000000e+09 : f32
      %broadcast_in_dim3A_68 = vector.broadcast %jit3A_67 : f32 to vector<16xf32>
      %select_n3A_69 = arith.select %gt3A_64, %max3A_47, %broadcast_in_dim3A_68 : vector<16xi1>, vector<16xf32>
      %add3A_70 = arith.constant 5120 : i32
      %add3A_71 = arith.addi %add3A_70, %mul3A_32 : i32
      %swap3A_72 = arith.index_cast %add3A_71 : i32 to index
      %swap3A_73 = tpu.vector_load %arg7[%swap3A_72] {strides = array<i32>} : memref<20480xf32, #tpu.memory_space<vmem>>, vector<16xf32>,
      tpu.vector_store %arg7[%swap3A_72], %select_n3A_69 {strides = array<i32>} : memref<20480xf32, #tpu.memory_space<vmem>>, vector<16xf32>,
      %jit3A_74 = arith.constant -1.000000e+09 : f32
      %broadcast_in_dim3A_75 = vector.broadcast %jit3A_74 : f32 to vector<16xf32>
      %select_n3A_76 = arith.select %gt3A_64, %min3A, %broadcast_in_dim3A_75 : vector<16xi1>, vector<16xf32>
      %add3A_77 = arith.constant 1.000000e+00 : f32
      %add3A_78 = vector.broadcast %add3A_77 : f32 to vector<16xf32>
      %add3A_79 = arith.addf %select_n3A_76, %add3A_78 : vector<16xf32>
      %add3A_80 = arith.constant 10240 : i32
      %add3A_81 = arith.addi %add3A_80, %mul3A_32 : i32
      %swap3A_82 = arith.index_cast %add3A_81 : i32 to index
      %swap3A_83 = tpu.vector_load %arg7[%swap3A_82] {strides = array<i32>} : memref<20480xf32, #tpu.memory_space<vmem>>, vector<16xf32>,
      tpu.vector_store %arg7[%swap3A_82], %add3A_79 {strides = array<i32>} : memref<20480xf32, #tpu.memory_space<vmem>>, vector<16xf32>,
      %jit3A_84 = arith.constant -1.000000e+09 : f32
      %broadcast_in_dim3A_85 = vector.broadcast %jit3A_84 : f32 to vector<16xf32>
      %select_n3A_86 = arith.select %gt3A_64, %min3A_48, %broadcast_in_dim3A_85 : vector<16xi1>, vector<16xf32>
      %add3A_87 = arith.constant 1.000000e+00 : f32
      %add3A_88 = vector.broadcast %add3A_87 : f32 to vector<16xf32>
      %add3A_89 = arith.addf %select_n3A_86, %add3A_88 : vector<16xf32>
      %add3A_90 = arith.constant 15360 : i32
      %add3A_91 = arith.addi %add3A_90, %mul3A_32 : i32
      %swap3A_92 = arith.index_cast %add3A_91 : i32 to index
      %swap3A_93 = tpu.vector_load %arg7[%swap3A_92] {strides = array<i32>} : memref<20480xf32, #tpu.memory_space<vmem>>, vector<16xf32>,
      tpu.vector_store %arg7[%swap3A_92], %add3A_89 {strides = array<i32>} : memref<20480xf32, #tpu.memory_space<vmem>>, vector<16xf32>,
    }
    %scan3A_15 = arith.constant 96 : i32
    %broadcast_in_dim3A_16 = arith.constant 0.000000e+00 : f32
    %broadcast_in_dim3A_17 = vector.broadcast %broadcast_in_dim3A_16 : f32 to vector<16xf32>
    %scan3A_18 = arith.constant 0 : i32
    %scan3A_19 = arith.constant 12 : i32
    %scan3A_20 = arith.addi %scan3A_18, %scan3A_19 : i32
    %scan3A_21 = arith.constant 1 : i32
    %scan3A_22 = scf.for %scan3A_30 = %scan3A_18 to %scan3A_20 step %scan3A_21 iter_args(%scan3A_31 = %broadcast_in_dim3A_17) -> (vector<16xf32>)  : i32 {
      %add3A_32 = arith.constant 3584 : i32
      %add3A_33 = arith.addi %add3A_32, %add3A : i32
      %mul3A_34 = arith.constant 128 : i32
      %mul3A_35 = arith.muli %scan3A_30, %mul3A_34 : i32
      %add3A_36 = arith.addi %add3A_33, %mul3A_35 : i32
      %add3A_37 = arith.constant 0 : i32
      %add3A_38 = arith.addi %add3A_36, %add3A_37 : i32
      %broadcast_in_dim3A_39 = vector.broadcast %add3A_38 : i32 to vector<16xi32>
      %gather3A = tpu.vector_load_idx %arg7[%broadcast_in_dim3A_39] : memref<20480xf32, #tpu.memory_space<vmem>>[vector<16xi32>], vector<16xf32>,
      %add3A_40 = arith.constant 5120 : i32
      %add3A_41 = vector.broadcast %add3A_40 : i32 to vector<16xi32>
      %add3A_42 = arith.addi %broadcast_in_dim3A_39, %add3A_41 : vector<16xi32>
      %gather3A_43 = tpu.vector_load_idx %arg7[%add3A_42] : memref<20480xf32, #tpu.memory_space<vmem>>[vector<16xi32>], vector<16xf32>,
      %add3A_44 = arith.constant 10240 : i32
      %add3A_45 = vector.broadcast %add3A_44 : i32 to vector<16xi32>
      %add3A_46 = arith.addi %broadcast_in_dim3A_39, %add3A_45 : vector<16xi32>
      %gather3A_47 = tpu.vector_load_idx %arg7[%add3A_46] : memref<20480xf32, #tpu.memory_space<vmem>>[vector<16xi32>], vector<16xf32>,
      %add3A_48 = arith.constant 15360 : i32
      %add3A_49 = vector.broadcast %add3A_48 : i32 to vector<16xi32>
      %add3A_50 = arith.addi %broadcast_in_dim3A_39, %add3A_49 : vector<16xi32>
      %gather3A_51 = tpu.vector_load_idx %arg7[%add3A_50] : memref<20480xf32, #tpu.memory_space<vmem>>[vector<16xi32>], vector<16xf32>,
      %add3A_52 = arith.constant 32 : i32
      %add3A_53 = arith.addi %add3A_36, %add3A_52 : i32
      %broadcast_in_dim3A_54 = vector.broadcast %add3A_53 : i32 to vector<16xi32>
      %gather3A_55 = tpu.vector_load_idx %arg7[%broadcast_in_dim3A_54] : memref<20480xf32, #tpu.memory_space<vmem>>[vector<16xi32>], vector<16xf32>,
      %add3A_56 = arith.constant 5120 : i32
      %add3A_57 = vector.broadcast %add3A_56 : i32 to vector<16xi32>
      %add3A_58 = arith.addi %broadcast_in_dim3A_54, %add3A_57 : vector<16xi32>
      %gather3A_59 = tpu.vector_load_idx %arg7[%add3A_58] : memref<20480xf32, #tpu.memory_space<vmem>>[vector<16xi32>], vector<16xf32>,
      %add3A_60 = arith.constant 10240 : i32
      %add3A_61 = vector.broadcast %add3A_60 : i32 to vector<16xi32>
      %add3A_62 = arith.addi %broadcast_in_dim3A_54, %add3A_61 : vector<16xi32>
      %gather3A_63 = tpu.vector_load_idx %arg7[%add3A_62] : memref<20480xf32, #tpu.memory_space<vmem>>[vector<16xi32>], vector<16xf32>,
      %add3A_64 = arith.constant 15360 : i32
      %add3A_65 = vector.broadcast %add3A_64 : i32 to vector<16xi32>
      %add3A_66 = arith.addi %broadcast_in_dim3A_54, %add3A_65 : vector<16xi32>
      %gather3A_67 = tpu.vector_load_idx %arg7[%add3A_66] : memref<20480xf32, #tpu.memory_space<vmem>>[vector<16xi32>], vector<16xf32>,
      %add3A_68 = arith.constant 64 : i32
      %add3A_69 = arith.addi %add3A_36, %add3A_68 : i32
      %broadcast_in_dim3A_70 = vector.broadcast %add3A_69 : i32 to vector<16xi32>
      %gather3A_71 = tpu.vector_load_idx %arg7[%broadcast_in_dim3A_70] : memref<20480xf32, #tpu.memory_space<vmem>>[vector<16xi32>], vector<16xf32>,
      %add3A_72 = arith.constant 5120 : i32
      %add3A_73 = vector.broadcast %add3A_72 : i32 to vector<16xi32>
      %add3A_74 = arith.addi %broadcast_in_dim3A_70, %add3A_73 : vector<16xi32>
      %gather3A_75 = tpu.vector_load_idx %arg7[%add3A_74] : memref<20480xf32, #tpu.memory_space<vmem>>[vector<16xi32>], vector<16xf32>,
      %add3A_76 = arith.constant 10240 : i32
      %add3A_77 = vector.broadcast %add3A_76 : i32 to vector<16xi32>
      %add3A_78 = arith.addi %broadcast_in_dim3A_70, %add3A_77 : vector<16xi32>
      %gather3A_79 = tpu.vector_load_idx %arg7[%add3A_78] : memref<20480xf32, #tpu.memory_space<vmem>>[vector<16xi32>], vector<16xf32>,
      %add3A_80 = arith.constant 15360 : i32
      %add3A_81 = vector.broadcast %add3A_80 : i32 to vector<16xi32>
      %add3A_82 = arith.addi %broadcast_in_dim3A_70, %add3A_81 : vector<16xi32>
      %gather3A_83 = tpu.vector_load_idx %arg7[%add3A_82] : memref<20480xf32, #tpu.memory_space<vmem>>[vector<16xi32>], vector<16xf32>,
      %add3A_84 = arith.constant 96 : i32
      %add3A_85 = arith.addi %add3A_36, %add3A_84 : i32
      %broadcast_in_dim3A_86 = vector.broadcast %add3A_85 : i32 to vector<16xi32>
      %gather3A_87 = tpu.vector_load_idx %arg7[%broadcast_in_dim3A_86] : memref<20480xf32, #tpu.memory_space<vmem>>[vector<16xi32>], vector<16xf32>,
      %add3A_88 = arith.constant 5120 : i32
      %add3A_89 = vector.broadcast %add3A_88 : i32 to vector<16xi32>
      %add3A_90 = arith.addi %broadcast_in_dim3A_86, %add3A_89 : vector<16xi32>
      %gather3A_91 = tpu.vector_load_idx %arg7[%add3A_90] : memref<20480xf32, #tpu.memory_space<vmem>>[vector<16xi32>], vector<16xf32>,
      %add3A_92 = arith.constant 10240 : i32
      %add3A_93 = vector.broadcast %add3A_92 : i32 to vector<16xi32>
      %add3A_94 = arith.addi %broadcast_in_dim3A_86, %add3A_93 : vector<16xi32>
      %gather3A_95 = tpu.vector_load_idx %arg7[%add3A_94] : memref<20480xf32, #tpu.memory_space<vmem>>[vector<16xi32>], vector<16xf32>,
      %add3A_96 = arith.constant 15360 : i32
      %add3A_97 = vector.broadcast %add3A_96 : i32 to vector<16xi32>
      %add3A_98 = arith.addi %broadcast_in_dim3A_86, %add3A_97 : vector<16xi32>
      %gather3A_99 = tpu.vector_load_idx %arg7[%add3A_98] : memref<20480xf32, #tpu.memory_space<vmem>>[vector<16xi32>], vector<16xf32>,
      %jit3A = arith.constant 128 : i32
      %div3A = arith.divsi %add3A_36, %jit3A : i32
      %sign3A = arith.constant 0 : i32
      %sign3A_100 = arith.cmpi sgt, %add3A_36, %sign3A : i32
      %sign3A_101 = arith.extui %sign3A_100 : i1 to i32
      %sign3A_102 = arith.constant 0 : i32
      %sign3A_103 = arith.cmpi slt, %add3A_36, %sign3A_102 : i32
      %sign3A_104 = arith.extui %sign3A_103 : i1 to i32
      %sign3A_105 = arith.subi %sign3A_101, %sign3A_104 : i32
      %sign3A_106 = arith.constant 0 : i32
      %sign3A_107 = arith.cmpi sgt, %jit3A, %sign3A_106 : i32
      %sign3A_108 = arith.extui %sign3A_107 : i1 to i32
      %sign3A_109 = arith.constant 0 : i32
      %sign3A_110 = arith.cmpi slt, %jit3A, %sign3A_109 : i32
      %sign3A_111 = arith.extui %sign3A_110 : i1 to i32
      %sign3A_112 = arith.subi %sign3A_108, %sign3A_111 : i32
      %ne3A_113 = arith.cmpi ne, %sign3A_105, %sign3A_112 : i32
      %rem3A = arith.remsi %add3A_36, %jit3A : i32
      %ne3A_114 = arith.constant 0 : i32
      %ne3A_115 = arith.cmpi ne, %rem3A, %ne3A_114 : i32
      %and3A = arith.andi %ne3A_113, %ne3A_115 : i1
      %sub3A = arith.constant 1 : i32
      %sub3A_116 = arith.subi %div3A, %sub3A : i32
      %select_n3A = arith.select %and3A, %sub3A_116, %div3A : i32
      %mul3A_117 = arith.constant 8 : i32
      %mul3A_118 = arith.muli %select_n3A, %mul3A_117 : i32
      %add3A_119 = arith.constant 0 : i32
      %add3A_120 = arith.addi %mul3A_118, %add3A_119 : i32
      %mul3A_121 = arith.constant 16 : i32
      %mul3A_122 = arith.muli %add3A_120, %mul3A_121 : i32
      %get3A_123 = arith.index_cast %mul3A_122 : i32 to index
      %get3A_124 = tpu.vector_load %arg7[%get3A_123] {strides = array<i32>} : memref<20480xf32, #tpu.memory_space<vmem>>, vector<16xf32>,
      %add3A_125 = arith.constant 5120 : i32
      %add3A_126 = arith.addi %add3A_125, %mul3A_122 : i32
      %get3A_127 = arith.index_cast %add3A_126 : i32 to index
      %get3A_128 = tpu.vector_load %arg7[%get3A_127] {strides = array<i32>} : memref<20480xf32, #tpu.memory_space<vmem>>, vector<16xf32>,
      %add3A_129 = arith.constant 10240 : i32
      %add3A_130 = arith.addi %add3A_129, %mul3A_122 : i32
      %get3A_131 = arith.index_cast %add3A_130 : i32 to index
      %get3A_132 = tpu.vector_load %arg7[%get3A_131] {strides = array<i32>} : memref<20480xf32, #tpu.memory_space<vmem>>, vector<16xf32>,
      %add3A_133 = arith.constant 15360 : i32
      %add3A_134 = arith.addi %add3A_133, %mul3A_122 : i32
      %get3A_135 = arith.index_cast %add3A_134 : i32 to index
      %get3A_136 = tpu.vector_load %arg7[%get3A_135] {strides = array<i32>} : memref<20480xf32, #tpu.memory_space<vmem>>, vector<16xf32>,
      %max3A = arith.maximumf %gather3A_47, %get3A_132 : vector<16xf32>
      %max3A_137 = arith.maximumf %gather3A, %get3A_124 : vector<16xf32>
      %sub3A_138 = arith.subf %max3A, %max3A_137 : vector<16xf32>
      %max3A_139 = arith.maximumf %gather3A_51, %get3A_136 : vector<16xf32>
      %max3A_140 = arith.maximumf %gather3A_43, %get3A_128 : vector<16xf32>
      %sub3A_141 = arith.subf %max3A_139, %max3A_140 : vector<16xf32>
      %max3A_142 = arith.constant 0.000000e+00 : f32
      %max3A_143 = vector.broadcast %max3A_142 : f32 to vector<16xf32>
      %max3A_144 = arith.maximumf %sub3A_138, %max3A_143 : vector<16xf32>
      %max3A_145 = arith.constant 0.000000e+00 : f32
      %max3A_146 = vector.broadcast %max3A_145 : f32 to vector<16xf32>
      %max3A_147 = arith.maximumf %sub3A_141, %max3A_146 : vector<16xf32>
      %mul3A_148 = arith.mulf %max3A_144, %max3A_147 : vector<16xf32>
      %max3A_149 = arith.maximumf %gather3A_63, %get3A_132 : vector<16xf32>
      %max3A_150 = arith.maximumf %gather3A_55, %get3A_124 : vector<16xf32>
      %sub3A_151 = arith.subf %max3A_149, %max3A_150 : vector<16xf32>
      %max3A_152 = arith.maximumf %gather3A_67, %get3A_136 : vector<16xf32>
      %max3A_153 = arith.maximumf %gather3A_59, %get3A_128 : vector<16xf32>
      %sub3A_154 = arith.subf %max3A_152, %max3A_153 : vector<16xf32>
      %max3A_155 = arith.constant 0.000000e+00 : f32
      %max3A_156 = vector.broadcast %max3A_155 : f32 to vector<16xf32>
      %max3A_157 = arith.maximumf %sub3A_151, %max3A_156 : vector<16xf32>
      %max3A_158 = arith.constant 0.000000e+00 : f32
      %max3A_159 = vector.broadcast %max3A_158 : f32 to vector<16xf32>
      %max3A_160 = arith.maximumf %sub3A_154, %max3A_159 : vector<16xf32>
      %mul3A_161 = arith.mulf %max3A_157, %max3A_160 : vector<16xf32>
      %add3A_162 = arith.addf %mul3A_148, %mul3A_161 : vector<16xf32>
      %max3A_163 = arith.maximumf %gather3A_79, %get3A_132 : vector<16xf32>
      %max3A_164 = arith.maximumf %gather3A_71, %get3A_124 : vector<16xf32>
      %sub3A_165 = arith.subf %max3A_163, %max3A_164 : vector<16xf32>
      %max3A_166 = arith.maximumf %gather3A_83, %get3A_136 : vector<16xf32>
      %max3A_167 = arith.maximumf %gather3A_75, %get3A_128 : vector<16xf32>
      %sub3A_168 = arith.subf %max3A_166, %max3A_167 : vector<16xf32>
      %max3A_169 = arith.constant 0.000000e+00 : f32
      %max3A_170 = vector.broadcast %max3A_169 : f32 to vector<16xf32>
      %max3A_171 = arith.maximumf %sub3A_165, %max3A_170 : vector<16xf32>
      %max3A_172 = arith.constant 0.000000e+00 : f32
      %max3A_173 = vector.broadcast %max3A_172 : f32 to vector<16xf32>
      %max3A_174 = arith.maximumf %sub3A_168, %max3A_173 : vector<16xf32>
      %mul3A_175 = arith.mulf %max3A_171, %max3A_174 : vector<16xf32>
      %add3A_176 = arith.addf %add3A_162, %mul3A_175 : vector<16xf32>
      %max3A_177 = arith.maximumf %gather3A_95, %get3A_132 : vector<16xf32>
      %max3A_178 = arith.maximumf %gather3A_87, %get3A_124 : vector<16xf32>
      %sub3A_179 = arith.subf %max3A_177, %max3A_178 : vector<16xf32>
      %max3A_180 = arith.maximumf %gather3A_99, %get3A_136 : vector<16xf32>
      %max3A_181 = arith.maximumf %gather3A_91, %get3A_128 : vector<16xf32>
      %sub3A_182 = arith.subf %max3A_180, %max3A_181 : vector<16xf32>
      %max3A_183 = arith.constant 0.000000e+00 : f32
      %max3A_184 = vector.broadcast %max3A_183 : f32 to vector<16xf32>
      %max3A_185 = arith.maximumf %sub3A_179, %max3A_184 : vector<16xf32>
      %max3A_186 = arith.constant 0.000000e+00 : f32
      %max3A_187 = vector.broadcast %max3A_186 : f32 to vector<16xf32>
      %max3A_188 = arith.maximumf %sub3A_182, %max3A_187 : vector<16xf32>
      %mul3A_189 = arith.mulf %max3A_185, %max3A_188 : vector<16xf32>
      %add3A_190 = arith.addf %add3A_176, %mul3A_189 : vector<16xf32>
      %mul3A_191 = arith.constant 5.000000e-01 : f32
      %mul3A_192 = vector.broadcast %mul3A_191 : f32 to vector<16xf32>
      %mul3A_193 = arith.mulf %mul3A_192, %add3A_190 : vector<16xf32>
      %add3A_194 = arith.addf %scan3A_31, %mul3A_193 : vector<16xf32>
      %add3A_195 = arith.constant 1 : i32
      %add3A_196 = arith.addi %mul3A_118, %add3A_195 : i32
      %mul3A_197 = arith.constant 16 : i32
      %mul3A_198 = arith.muli %add3A_196, %mul3A_197 : i32
      %get3A_199 = arith.index_cast %mul3A_198 : i32 to index
      %get3A_200 = tpu.vector_load %arg7[%get3A_199] {strides = array<i32>} : memref<20480xf32, #tpu.memory_space<vmem>>, vector<16xf32>,
      %add3A_201 = arith.constant 5120 : i32
      %add3A_202 = arith.addi %add3A_201, %mul3A_198 : i32
      %get3A_203 = arith.index_cast %add3A_202 : i32 to index
      %get3A_204 = tpu.vector_load %arg7[%get3A_203] {strides = array<i32>} : memref<20480xf32, #tpu.memory_space<vmem>>, vector<16xf32>,
      %add3A_205 = arith.constant 10240 : i32
      %add3A_206 = arith.addi %add3A_205, %mul3A_198 : i32
      %get3A_207 = arith.index_cast %add3A_206 : i32 to index
      %get3A_208 = tpu.vector_load %arg7[%get3A_207] {strides = array<i32>} : memref<20480xf32, #tpu.memory_space<vmem>>, vector<16xf32>,
      %add3A_209 = arith.constant 15360 : i32
      %add3A_210 = arith.addi %add3A_209, %mul3A_198 : i32
      %get3A_211 = arith.index_cast %add3A_210 : i32 to index
      %get3A_212 = tpu.vector_load %arg7[%get3A_211] {strides = array<i32>} : memref<20480xf32, #tpu.memory_space<vmem>>, vector<16xf32>,
      %max3A_213 = arith.maximumf %gather3A_47, %get3A_208 : vector<16xf32>
      %max3A_214 = arith.maximumf %gather3A, %get3A_200 : vector<16xf32>
      %sub3A_215 = arith.subf %max3A_213, %max3A_214 : vector<16xf32>
      %max3A_216 = arith.maximumf %gather3A_51, %get3A_212 : vector<16xf32>
      %max3A_217 = arith.maximumf %gather3A_43, %get3A_204 : vector<16xf32>
      %sub3A_218 = arith.subf %max3A_216, %max3A_217 : vector<16xf32>
      %max3A_219 = arith.constant 0.000000e+00 : f32
      %max3A_220 = vector.broadcast %max3A_219 : f32 to vector<16xf32>
      %max3A_221 = arith.maximumf %sub3A_215, %max3A_220 : vector<16xf32>
      %max3A_222 = arith.constant 0.000000e+00 : f32
      %max3A_223 = vector.broadcast %max3A_222 : f32 to vector<16xf32>
      %max3A_224 = arith.maximumf %sub3A_218, %max3A_223 : vector<16xf32>
      %mul3A_225 = arith.mulf %max3A_221, %max3A_224 : vector<16xf32>
      %max3A_226 = arith.maximumf %gather3A_63, %get3A_208 : vector<16xf32>
      %max3A_227 = arith.maximumf %gather3A_55, %get3A_200 : vector<16xf32>
      %sub3A_228 = arith.subf %max3A_226, %max3A_227 : vector<16xf32>
      %max3A_229 = arith.maximumf %gather3A_67, %get3A_212 : vector<16xf32>
      %max3A_230 = arith.maximumf %gather3A_59, %get3A_204 : vector<16xf32>
      %sub3A_231 = arith.subf %max3A_229, %max3A_230 : vector<16xf32>
      %max3A_232 = arith.constant 0.000000e+00 : f32
      %max3A_233 = vector.broadcast %max3A_232 : f32 to vector<16xf32>
      %max3A_234 = arith.maximumf %sub3A_228, %max3A_233 : vector<16xf32>
      %max3A_235 = arith.constant 0.000000e+00 : f32
      %max3A_236 = vector.broadcast %max3A_235 : f32 to vector<16xf32>
      %max3A_237 = arith.maximumf %sub3A_231, %max3A_236 : vector<16xf32>
      %mul3A_238 = arith.mulf %max3A_234, %max3A_237 : vector<16xf32>
      %add3A_239 = arith.addf %mul3A_225, %mul3A_238 : vector<16xf32>
      %max3A_240 = arith.maximumf %gather3A_79, %get3A_208 : vector<16xf32>
      %max3A_241 = arith.maximumf %gather3A_71, %get3A_200 : vector<16xf32>
      %sub3A_242 = arith.subf %max3A_240, %max3A_241 : vector<16xf32>
      %max3A_243 = arith.maximumf %gather3A_83, %get3A_212 : vector<16xf32>
      %max3A_244 = arith.maximumf %gather3A_75, %get3A_204 : vector<16xf32>
      %sub3A_245 = arith.subf %max3A_243, %max3A_244 : vector<16xf32>
      %max3A_246 = arith.constant 0.000000e+00 : f32
      %max3A_247 = vector.broadcast %max3A_246 : f32 to vector<16xf32>
      %max3A_248 = arith.maximumf %sub3A_242, %max3A_247 : vector<16xf32>
      %max3A_249 = arith.constant 0.000000e+00 : f32
      %max3A_250 = vector.broadcast %max3A_249 : f32 to vector<16xf32>
      %max3A_251 = arith.maximumf %sub3A_245, %max3A_250 : vector<16xf32>
      %mul3A_252 = arith.mulf %max3A_248, %max3A_251 : vector<16xf32>
      %add3A_253 = arith.addf %add3A_239, %mul3A_252 : vector<16xf32>
      %max3A_254 = arith.maximumf %gather3A_95, %get3A_208 : vector<16xf32>
      %max3A_255 = arith.maximumf %gather3A_87, %get3A_200 : vector<16xf32>
      %sub3A_256 = arith.subf %max3A_254, %max3A_255 : vector<16xf32>
      %max3A_257 = arith.maximumf %gather3A_99, %get3A_212 : vector<16xf32>
      %max3A_258 = arith.maximumf %gather3A_91, %get3A_204 : vector<16xf32>
      %sub3A_259 = arith.subf %max3A_257, %max3A_258 : vector<16xf32>
      %max3A_260 = arith.constant 0.000000e+00 : f32
      %max3A_261 = vector.broadcast %max3A_260 : f32 to vector<16xf32>
      %max3A_262 = arith.maximumf %sub3A_256, %max3A_261 : vector<16xf32>
      %max3A_263 = arith.constant 0.000000e+00 : f32
      %max3A_264 = vector.broadcast %max3A_263 : f32 to vector<16xf32>
      %max3A_265 = arith.maximumf %sub3A_259, %max3A_264 : vector<16xf32>
      %mul3A_266 = arith.mulf %max3A_262, %max3A_265 : vector<16xf32>
      %add3A_267 = arith.addf %add3A_253, %mul3A_266 : vector<16xf32>
      %mul3A_268 = arith.constant 5.000000e-01 : f32
      %mul3A_269 = vector.broadcast %mul3A_268 : f32 to vector<16xf32>
      %mul3A_270 = arith.mulf %mul3A_269, %add3A_267 : vector<16xf32>
      %add3A_271 = arith.addf %add3A_194, %mul3A_270 : vector<16xf32>
      %add3A_272 = arith.constant 2 : i32
      %add3A_273 = arith.addi %mul3A_118, %add3A_272 : i32
      %mul3A_274 = arith.constant 16 : i32
      %mul3A_275 = arith.muli %add3A_273, %mul3A_274 : i32
      %get3A_276 = arith.index_cast %mul3A_275 : i32 to index
      %get3A_277 = tpu.vector_load %arg7[%get3A_276] {strides = array<i32>} : memref<20480xf32, #tpu.memory_space<vmem>>, vector<16xf32>,
      %add3A_278 = arith.constant 5120 : i32
      %add3A_279 = arith.addi %add3A_278, %mul3A_275 : i32
      %get3A_280 = arith.index_cast %add3A_279 : i32 to index
      %get3A_281 = tpu.vector_load %arg7[%get3A_280] {strides = array<i32>} : memref<20480xf32, #tpu.memory_space<vmem>>, vector<16xf32>,
      %add3A_282 = arith.constant 10240 : i32
      %add3A_283 = arith.addi %add3A_282, %mul3A_275 : i32
      %get3A_284 = arith.index_cast %add3A_283 : i32 to index
      %get3A_285 = tpu.vector_load %arg7[%get3A_284] {strides = array<i32>} : memref<20480xf32, #tpu.memory_space<vmem>>, vector<16xf32>,
      %add3A_286 = arith.constant 15360 : i32
      %add3A_287 = arith.addi %add3A_286, %mul3A_275 : i32
      %get3A_288 = arith.index_cast %add3A_287 : i32 to index
      %get3A_289 = tpu.vector_load %arg7[%get3A_288] {strides = array<i32>} : memref<20480xf32, #tpu.memory_space<vmem>>, vector<16xf32>,
      %max3A_290 = arith.maximumf %gather3A_47, %get3A_285 : vector<16xf32>
      %max3A_291 = arith.maximumf %gather3A, %get3A_277 : vector<16xf32>
      %sub3A_292 = arith.subf %max3A_290, %max3A_291 : vector<16xf32>
      %max3A_293 = arith.maximumf %gather3A_51, %get3A_289 : vector<16xf32>
      %max3A_294 = arith.maximumf %gather3A_43, %get3A_281 : vector<16xf32>
      %sub3A_295 = arith.subf %max3A_293, %max3A_294 : vector<16xf32>
      %max3A_296 = arith.constant 0.000000e+00 : f32
      %max3A_297 = vector.broadcast %max3A_296 : f32 to vector<16xf32>
      %max3A_298 = arith.maximumf %sub3A_292, %max3A_297 : vector<16xf32>
      %max3A_299 = arith.constant 0.000000e+00 : f32
      %max3A_300 = vector.broadcast %max3A_299 : f32 to vector<16xf32>
      %max3A_301 = arith.maximumf %sub3A_295, %max3A_300 : vector<16xf32>
      %mul3A_302 = arith.mulf %max3A_298, %max3A_301 : vector<16xf32>
      %max3A_303 = arith.maximumf %gather3A_63, %get3A_285 : vector<16xf32>
      %max3A_304 = arith.maximumf %gather3A_55, %get3A_277 : vector<16xf32>
      %sub3A_305 = arith.subf %max3A_303, %max3A_304 : vector<16xf32>
      %max3A_306 = arith.maximumf %gather3A_67, %get3A_289 : vector<16xf32>
      %max3A_307 = arith.maximumf %gather3A_59, %get3A_281 : vector<16xf32>
      %sub3A_308 = arith.subf %max3A_306, %max3A_307 : vector<16xf32>
      %max3A_309 = arith.constant 0.000000e+00 : f32
      %max3A_310 = vector.broadcast %max3A_309 : f32 to vector<16xf32>
      %max3A_311 = arith.maximumf %sub3A_305, %max3A_310 : vector<16xf32>
      %max3A_312 = arith.constant 0.000000e+00 : f32
      %max3A_313 = vector.broadcast %max3A_312 : f32 to vector<16xf32>
      %max3A_314 = arith.maximumf %sub3A_308, %max3A_313 : vector<16xf32>
      %mul3A_315 = arith.mulf %max3A_311, %max3A_314 : vector<16xf32>
      %add3A_316 = arith.addf %mul3A_302, %mul3A_315 : vector<16xf32>
      %max3A_317 = arith.maximumf %gather3A_79, %get3A_285 : vector<16xf32>
      %max3A_318 = arith.maximumf %gather3A_71, %get3A_277 : vector<16xf32>
      %sub3A_319 = arith.subf %max3A_317, %max3A_318 : vector<16xf32>
      %max3A_320 = arith.maximumf %gather3A_83, %get3A_289 : vector<16xf32>
      %max3A_321 = arith.maximumf %gather3A_75, %get3A_281 : vector<16xf32>
      %sub3A_322 = arith.subf %max3A_320, %max3A_321 : vector<16xf32>
      %max3A_323 = arith.constant 0.000000e+00 : f32
      %max3A_324 = vector.broadcast %max3A_323 : f32 to vector<16xf32>
      %max3A_325 = arith.maximumf %sub3A_319, %max3A_324 : vector<16xf32>
      %max3A_326 = arith.constant 0.000000e+00 : f32
      %max3A_327 = vector.broadcast %max3A_326 : f32 to vector<16xf32>
      %max3A_328 = arith.maximumf %sub3A_322, %max3A_327 : vector<16xf32>
      %mul3A_329 = arith.mulf %max3A_325, %max3A_328 : vector<16xf32>
      %add3A_330 = arith.addf %add3A_316, %mul3A_329 : vector<16xf32>
      %max3A_331 = arith.maximumf %gather3A_95, %get3A_285 : vector<16xf32>
      %max3A_332 = arith.maximumf %gather3A_87, %get3A_277 : vector<16xf32>
      %sub3A_333 = arith.subf %max3A_331, %max3A_332 : vector<16xf32>
      %max3A_334 = arith.maximumf %gather3A_99, %get3A_289 : vector<16xf32>
      %max3A_335 = arith.maximumf %gather3A_91, %get3A_281 : vector<16xf32>
      %sub3A_336 = arith.subf %max3A_334, %max3A_335 : vector<16xf32>
      %max3A_337 = arith.constant 0.000000e+00 : f32
      %max3A_338 = vector.broadcast %max3A_337 : f32 to vector<16xf32>
      %max3A_339 = arith.maximumf %sub3A_333, %max3A_338 : vector<16xf32>
      %max3A_340 = arith.constant 0.000000e+00 : f32
      %max3A_341 = vector.broadcast %max3A_340 : f32 to vector<16xf32>
      %max3A_342 = arith.maximumf %sub3A_336, %max3A_341 : vector<16xf32>
      %mul3A_343 = arith.mulf %max3A_339, %max3A_342 : vector<16xf32>
      %add3A_344 = arith.addf %add3A_330, %mul3A_343 : vector<16xf32>
      %mul3A_345 = arith.constant 5.000000e-01 : f32
      %mul3A_346 = vector.broadcast %mul3A_345 : f32 to vector<16xf32>
      %mul3A_347 = arith.mulf %mul3A_346, %add3A_344 : vector<16xf32>
      %add3A_348 = arith.addf %add3A_271, %mul3A_347 : vector<16xf32>
      %add3A_349 = arith.constant 3 : i32
      %add3A_350 = arith.addi %mul3A_118, %add3A_349 : i32
      %mul3A_351 = arith.constant 16 : i32
      %mul3A_352 = arith.muli %add3A_350, %mul3A_351 : i32
      %get3A_353 = arith.index_cast %mul3A_352 : i32 to index
      %get3A_354 = tpu.vector_load %arg7[%get3A_353] {strides = array<i32>} : memref<20480xf32, #tpu.memory_space<vmem>>, vector<16xf32>,
      %add3A_355 = arith.constant 5120 : i32
      %add3A_356 = arith.addi %add3A_355, %mul3A_352 : i32
      %get3A_357 = arith.index_cast %add3A_356 : i32 to index
      %get3A_358 = tpu.vector_load %arg7[%get3A_357] {strides = array<i32>} : memref<20480xf32, #tpu.memory_space<vmem>>, vector<16xf32>,
      %add3A_359 = arith.constant 10240 : i32
      %add3A_360 = arith.addi %add3A_359, %mul3A_352 : i32
      %get3A_361 = arith.index_cast %add3A_360 : i32 to index
      %get3A_362 = tpu.vector_load %arg7[%get3A_361] {strides = array<i32>} : memref<20480xf32, #tpu.memory_space<vmem>>, vector<16xf32>,
      %add3A_363 = arith.constant 15360 : i32
      %add3A_364 = arith.addi %add3A_363, %mul3A_352 : i32
      %get3A_365 = arith.index_cast %add3A_364 : i32 to index
      %get3A_366 = tpu.vector_load %arg7[%get3A_365] {strides = array<i32>} : memref<20480xf32, #tpu.memory_space<vmem>>, vector<16xf32>,
      %max3A_367 = arith.maximumf %gather3A_47, %get3A_362 : vector<16xf32>
      %max3A_368 = arith.maximumf %gather3A, %get3A_354 : vector<16xf32>
      %sub3A_369 = arith.subf %max3A_367, %max3A_368 : vector<16xf32>
      %max3A_370 = arith.maximumf %gather3A_51, %get3A_366 : vector<16xf32>
      %max3A_371 = arith.maximumf %gather3A_43, %get3A_358 : vector<16xf32>
      %sub3A_372 = arith.subf %max3A_370, %max3A_371 : vector<16xf32>
      %max3A_373 = arith.constant 0.000000e+00 : f32
      %max3A_374 = vector.broadcast %max3A_373 : f32 to vector<16xf32>
      %max3A_375 = arith.maximumf %sub3A_369, %max3A_374 : vector<16xf32>
      %max3A_376 = arith.constant 0.000000e+00 : f32
      %max3A_377 = vector.broadcast %max3A_376 : f32 to vector<16xf32>
      %max3A_378 = arith.maximumf %sub3A_372, %max3A_377 : vector<16xf32>
      %mul3A_379 = arith.mulf %max3A_375, %max3A_378 : vector<16xf32>
      %max3A_380 = arith.maximumf %gather3A_63, %get3A_362 : vector<16xf32>
      %max3A_381 = arith.maximumf %gather3A_55, %get3A_354 : vector<16xf32>
      %sub3A_382 = arith.subf %max3A_380, %max3A_381 : vector<16xf32>
      %max3A_383 = arith.maximumf %gather3A_67, %get3A_366 : vector<16xf32>
      %max3A_384 = arith.maximumf %gather3A_59, %get3A_358 : vector<16xf32>
      %sub3A_385 = arith.subf %max3A_383, %max3A_384 : vector<16xf32>
      %max3A_386 = arith.constant 0.000000e+00 : f32
      %max3A_387 = vector.broadcast %max3A_386 : f32 to vector<16xf32>
      %max3A_388 = arith.maximumf %sub3A_382, %max3A_387 : vector<16xf32>
      %max3A_389 = arith.constant 0.000000e+00 : f32
      %max3A_390 = vector.broadcast %max3A_389 : f32 to vector<16xf32>
      %max3A_391 = arith.maximumf %sub3A_385, %max3A_390 : vector<16xf32>
      %mul3A_392 = arith.mulf %max3A_388, %max3A_391 : vector<16xf32>
      %add3A_393 = arith.addf %mul3A_379, %mul3A_392 : vector<16xf32>
      %max3A_394 = arith.maximumf %gather3A_79, %get3A_362 : vector<16xf32>
      %max3A_395 = arith.maximumf %gather3A_71, %get3A_354 : vector<16xf32>
      %sub3A_396 = arith.subf %max3A_394, %max3A_395 : vector<16xf32>
      %max3A_397 = arith.maximumf %gather3A_83, %get3A_366 : vector<16xf32>
      %max3A_398 = arith.maximumf %gather3A_75, %get3A_358 : vector<16xf32>
      %sub3A_399 = arith.subf %max3A_397, %max3A_398 : vector<16xf32>
      %max3A_400 = arith.constant 0.000000e+00 : f32
      %max3A_401 = vector.broadcast %max3A_400 : f32 to vector<16xf32>
      %max3A_402 = arith.maximumf %sub3A_396, %max3A_401 : vector<16xf32>
      %max3A_403 = arith.constant 0.000000e+00 : f32
      %max3A_404 = vector.broadcast %max3A_403 : f32 to vector<16xf32>
      %max3A_405 = arith.maximumf %sub3A_399, %max3A_404 : vector<16xf32>
      %mul3A_406 = arith.mulf %max3A_402, %max3A_405 : vector<16xf32>
      %add3A_407 = arith.addf %add3A_393, %mul3A_406 : vector<16xf32>
      %max3A_408 = arith.maximumf %gather3A_95, %get3A_362 : vector<16xf32>
      %max3A_409 = arith.maximumf %gather3A_87, %get3A_354 : vector<16xf32>
      %sub3A_410 = arith.subf %max3A_408, %max3A_409 : vector<16xf32>
      %max3A_411 = arith.maximumf %gather3A_99, %get3A_366 : vector<16xf32>
      %max3A_412 = arith.maximumf %gather3A_91, %get3A_358 : vector<16xf32>
      %sub3A_413 = arith.subf %max3A_411, %max3A_412 : vector<16xf32>
      %max3A_414 = arith.constant 0.000000e+00 : f32
      %max3A_415 = vector.broadcast %max3A_414 : f32 to vector<16xf32>
      %max3A_416 = arith.maximumf %sub3A_410, %max3A_415 : vector<16xf32>
      %max3A_417 = arith.constant 0.000000e+00 : f32
      %max3A_418 = vector.broadcast %max3A_417 : f32 to vector<16xf32>
      %max3A_419 = arith.maximumf %sub3A_413, %max3A_418 : vector<16xf32>
      %mul3A_420 = arith.mulf %max3A_416, %max3A_419 : vector<16xf32>
      %add3A_421 = arith.addf %add3A_407, %mul3A_420 : vector<16xf32>
      %mul3A_422 = arith.constant 5.000000e-01 : f32
      %mul3A_423 = vector.broadcast %mul3A_422 : f32 to vector<16xf32>
      %mul3A_424 = arith.mulf %mul3A_423, %add3A_421 : vector<16xf32>
      %add3A_425 = arith.addf %add3A_348, %mul3A_424 : vector<16xf32>
      %add3A_426 = arith.constant 4 : i32
      %add3A_427 = arith.addi %mul3A_118, %add3A_426 : i32
      %mul3A_428 = arith.constant 16 : i32
      %mul3A_429 = arith.muli %add3A_427, %mul3A_428 : i32
      %get3A_430 = arith.index_cast %mul3A_429 : i32 to index
      %get3A_431 = tpu.vector_load %arg7[%get3A_430] {strides = array<i32>} : memref<20480xf32, #tpu.memory_space<vmem>>, vector<16xf32>,
      %add3A_432 = arith.constant 5120 : i32
      %add3A_433 = arith.addi %add3A_432, %mul3A_429 : i32
      %get3A_434 = arith.index_cast %add3A_433 : i32 to index
      %get3A_435 = tpu.vector_load %arg7[%get3A_434] {strides = array<i32>} : memref<20480xf32, #tpu.memory_space<vmem>>, vector<16xf32>,
      %add3A_436 = arith.constant 10240 : i32
      %add3A_437 = arith.addi %add3A_436, %mul3A_429 : i32
      %get3A_438 = arith.index_cast %add3A_437 : i32 to index
      %get3A_439 = tpu.vector_load %arg7[%get3A_438] {strides = array<i32>} : memref<20480xf32, #tpu.memory_space<vmem>>, vector<16xf32>,
      %add3A_440 = arith.constant 15360 : i32
      %add3A_441 = arith.addi %add3A_440, %mul3A_429 : i32
      %get3A_442 = arith.index_cast %add3A_441 : i32 to index
      %get3A_443 = tpu.vector_load %arg7[%get3A_442] {strides = array<i32>} : memref<20480xf32, #tpu.memory_space<vmem>>, vector<16xf32>,
      %max3A_444 = arith.maximumf %gather3A_47, %get3A_439 : vector<16xf32>
      %max3A_445 = arith.maximumf %gather3A, %get3A_431 : vector<16xf32>
      %sub3A_446 = arith.subf %max3A_444, %max3A_445 : vector<16xf32>
      %max3A_447 = arith.maximumf %gather3A_51, %get3A_443 : vector<16xf32>
      %max3A_448 = arith.maximumf %gather3A_43, %get3A_435 : vector<16xf32>
      %sub3A_449 = arith.subf %max3A_447, %max3A_448 : vector<16xf32>
      %max3A_450 = arith.constant 0.000000e+00 : f32
      %max3A_451 = vector.broadcast %max3A_450 : f32 to vector<16xf32>
      %max3A_452 = arith.maximumf %sub3A_446, %max3A_451 : vector<16xf32>
      %max3A_453 = arith.constant 0.000000e+00 : f32
      %max3A_454 = vector.broadcast %max3A_453 : f32 to vector<16xf32>
      %max3A_455 = arith.maximumf %sub3A_449, %max3A_454 : vector<16xf32>
      %mul3A_456 = arith.mulf %max3A_452, %max3A_455 : vector<16xf32>
      %max3A_457 = arith.maximumf %gather3A_63, %get3A_439 : vector<16xf32>
      %max3A_458 = arith.maximumf %gather3A_55, %get3A_431 : vector<16xf32>
      %sub3A_459 = arith.subf %max3A_457, %max3A_458 : vector<16xf32>
      %max3A_460 = arith.maximumf %gather3A_67, %get3A_443 : vector<16xf32>
      %max3A_461 = arith.maximumf %gather3A_59, %get3A_435 : vector<16xf32>
      %sub3A_462 = arith.subf %max3A_460, %max3A_461 : vector<16xf32>
      %max3A_463 = arith.constant 0.000000e+00 : f32
      %max3A_464 = vector.broadcast %max3A_463 : f32 to vector<16xf32>
      %max3A_465 = arith.maximumf %sub3A_459, %max3A_464 : vector<16xf32>
      %max3A_466 = arith.constant 0.000000e+00 : f32
      %max3A_467 = vector.broadcast %max3A_466 : f32 to vector<16xf32>
      %max3A_468 = arith.maximumf %sub3A_462, %max3A_467 : vector<16xf32>
      %mul3A_469 = arith.mulf %max3A_465, %max3A_468 : vector<16xf32>
      %add3A_470 = arith.addf %mul3A_456, %mul3A_469 : vector<16xf32>
      %max3A_471 = arith.maximumf %gather3A_79, %get3A_439 : vector<16xf32>
      %max3A_472 = arith.maximumf %gather3A_71, %get3A_431 : vector<16xf32>
      %sub3A_473 = arith.subf %max3A_471, %max3A_472 : vector<16xf32>
      %max3A_474 = arith.maximumf %gather3A_83, %get3A_443 : vector<16xf32>
      %max3A_475 = arith.maximumf %gather3A_75, %get3A_435 : vector<16xf32>
      %sub3A_476 = arith.subf %max3A_474, %max3A_475 : vector<16xf32>
      %max3A_477 = arith.constant 0.000000e+00 : f32
      %max3A_478 = vector.broadcast %max3A_477 : f32 to vector<16xf32>
      %max3A_479 = arith.maximumf %sub3A_473, %max3A_478 : vector<16xf32>
      %max3A_480 = arith.constant 0.000000e+00 : f32
      %max3A_481 = vector.broadcast %max3A_480 : f32 to vector<16xf32>
      %max3A_482 = arith.maximumf %sub3A_476, %max3A_481 : vector<16xf32>
      %mul3A_483 = arith.mulf %max3A_479, %max3A_482 : vector<16xf32>
      %add3A_484 = arith.addf %add3A_470, %mul3A_483 : vector<16xf32>
      %max3A_485 = arith.maximumf %gather3A_95, %get3A_439 : vector<16xf32>
      %max3A_486 = arith.maximumf %gather3A_87, %get3A_431 : vector<16xf32>
      %sub3A_487 = arith.subf %max3A_485, %max3A_486 : vector<16xf32>
      %max3A_488 = arith.maximumf %gather3A_99, %get3A_443 : vector<16xf32>
      %max3A_489 = arith.maximumf %gather3A_91, %get3A_435 : vector<16xf32>
      %sub3A_490 = arith.subf %max3A_488, %max3A_489 : vector<16xf32>
      %max3A_491 = arith.constant 0.000000e+00 : f32
      %max3A_492 = vector.broadcast %max3A_491 : f32 to vector<16xf32>
      %max3A_493 = arith.maximumf %sub3A_487, %max3A_492 : vector<16xf32>
      %max3A_494 = arith.constant 0.000000e+00 : f32
      %max3A_495 = vector.broadcast %max3A_494 : f32 to vector<16xf32>
      %max3A_496 = arith.maximumf %sub3A_490, %max3A_495 : vector<16xf32>
      %mul3A_497 = arith.mulf %max3A_493, %max3A_496 : vector<16xf32>
      %add3A_498 = arith.addf %add3A_484, %mul3A_497 : vector<16xf32>
      %mul3A_499 = arith.constant 5.000000e-01 : f32
      %mul3A_500 = vector.broadcast %mul3A_499 : f32 to vector<16xf32>
      %mul3A_501 = arith.mulf %mul3A_500, %add3A_498 : vector<16xf32>
      %add3A_502 = arith.addf %add3A_425, %mul3A_501 : vector<16xf32>
      %add3A_503 = arith.constant 5 : i32
      %add3A_504 = arith.addi %mul3A_118, %add3A_503 : i32
      %mul3A_505 = arith.constant 16 : i32
      %mul3A_506 = arith.muli %add3A_504, %mul3A_505 : i32
      %get3A_507 = arith.index_cast %mul3A_506 : i32 to index
      %get3A_508 = tpu.vector_load %arg7[%get3A_507] {strides = array<i32>} : memref<20480xf32, #tpu.memory_space<vmem>>, vector<16xf32>,
      %add3A_509 = arith.constant 5120 : i32
      %add3A_510 = arith.addi %add3A_509, %mul3A_506 : i32
      %get3A_511 = arith.index_cast %add3A_510 : i32 to index
      %get3A_512 = tpu.vector_load %arg7[%get3A_511] {strides = array<i32>} : memref<20480xf32, #tpu.memory_space<vmem>>, vector<16xf32>,
      %add3A_513 = arith.constant 10240 : i32
      %add3A_514 = arith.addi %add3A_513, %mul3A_506 : i32
      %get3A_515 = arith.index_cast %add3A_514 : i32 to index
      %get3A_516 = tpu.vector_load %arg7[%get3A_515] {strides = array<i32>} : memref<20480xf32, #tpu.memory_space<vmem>>, vector<16xf32>,
      %add3A_517 = arith.constant 15360 : i32
      %add3A_518 = arith.addi %add3A_517, %mul3A_506 : i32
      %get3A_519 = arith.index_cast %add3A_518 : i32 to index
      %get3A_520 = tpu.vector_load %arg7[%get3A_519] {strides = array<i32>} : memref<20480xf32, #tpu.memory_space<vmem>>, vector<16xf32>,
      %max3A_521 = arith.maximumf %gather3A_47, %get3A_516 : vector<16xf32>
      %max3A_522 = arith.maximumf %gather3A, %get3A_508 : vector<16xf32>
      %sub3A_523 = arith.subf %max3A_521, %max3A_522 : vector<16xf32>
      %max3A_524 = arith.maximumf %gather3A_51, %get3A_520 : vector<16xf32>
      %max3A_525 = arith.maximumf %gather3A_43, %get3A_512 : vector<16xf32>
      %sub3A_526 = arith.subf %max3A_524, %max3A_525 : vector<16xf32>
      %max3A_527 = arith.constant 0.000000e+00 : f32
      %max3A_528 = vector.broadcast %max3A_527 : f32 to vector<16xf32>
      %max3A_529 = arith.maximumf %sub3A_523, %max3A_528 : vector<16xf32>
      %max3A_530 = arith.constant 0.000000e+00 : f32
      %max3A_531 = vector.broadcast %max3A_530 : f32 to vector<16xf32>
      %max3A_532 = arith.maximumf %sub3A_526, %max3A_531 : vector<16xf32>
      %mul3A_533 = arith.mulf %max3A_529, %max3A_532 : vector<16xf32>
      %max3A_534 = arith.maximumf %gather3A_63, %get3A_516 : vector<16xf32>
      %max3A_535 = arith.maximumf %gather3A_55, %get3A_508 : vector<16xf32>
      %sub3A_536 = arith.subf %max3A_534, %max3A_535 : vector<16xf32>
      %max3A_537 = arith.maximumf %gather3A_67, %get3A_520 : vector<16xf32>
      %max3A_538 = arith.maximumf %gather3A_59, %get3A_512 : vector<16xf32>
      %sub3A_539 = arith.subf %max3A_537, %max3A_538 : vector<16xf32>
      %max3A_540 = arith.constant 0.000000e+00 : f32
      %max3A_541 = vector.broadcast %max3A_540 : f32 to vector<16xf32>
      %max3A_542 = arith.maximumf %sub3A_536, %max3A_541 : vector<16xf32>
      %max3A_543 = arith.constant 0.000000e+00 : f32
      %max3A_544 = vector.broadcast %max3A_543 : f32 to vector<16xf32>
      %max3A_545 = arith.maximumf %sub3A_539, %max3A_544 : vector<16xf32>
      %mul3A_546 = arith.mulf %max3A_542, %max3A_545 : vector<16xf32>
      %add3A_547 = arith.addf %mul3A_533, %mul3A_546 : vector<16xf32>
      %max3A_548 = arith.maximumf %gather3A_79, %get3A_516 : vector<16xf32>
      %max3A_549 = arith.maximumf %gather3A_71, %get3A_508 : vector<16xf32>
      %sub3A_550 = arith.subf %max3A_548, %max3A_549 : vector<16xf32>
      %max3A_551 = arith.maximumf %gather3A_83, %get3A_520 : vector<16xf32>
      %max3A_552 = arith.maximumf %gather3A_75, %get3A_512 : vector<16xf32>
      %sub3A_553 = arith.subf %max3A_551, %max3A_552 : vector<16xf32>
      %max3A_554 = arith.constant 0.000000e+00 : f32
      %max3A_555 = vector.broadcast %max3A_554 : f32 to vector<16xf32>
      %max3A_556 = arith.maximumf %sub3A_550, %max3A_555 : vector<16xf32>
      %max3A_557 = arith.constant 0.000000e+00 : f32
      %max3A_558 = vector.broadcast %max3A_557 : f32 to vector<16xf32>
      %max3A_559 = arith.maximumf %sub3A_553, %max3A_558 : vector<16xf32>
      %mul3A_560 = arith.mulf %max3A_556, %max3A_559 : vector<16xf32>
      %add3A_561 = arith.addf %add3A_547, %mul3A_560 : vector<16xf32>
      %max3A_562 = arith.maximumf %gather3A_95, %get3A_516 : vector<16xf32>
      %max3A_563 = arith.maximumf %gather3A_87, %get3A_508 : vector<16xf32>
      %sub3A_564 = arith.subf %max3A_562, %max3A_563 : vector<16xf32>
      %max3A_565 = arith.maximumf %gather3A_99, %get3A_520 : vector<16xf32>
      %max3A_566 = arith.maximumf %gather3A_91, %get3A_512 : vector<16xf32>
      %sub3A_567 = arith.subf %max3A_565, %max3A_566 : vector<16xf32>
      %max3A_568 = arith.constant 0.000000e+00 : f32
      %max3A_569 = vector.broadcast %max3A_568 : f32 to vector<16xf32>
      %max3A_570 = arith.maximumf %sub3A_564, %max3A_569 : vector<16xf32>
      %max3A_571 = arith.constant 0.000000e+00 : f32
      %max3A_572 = vector.broadcast %max3A_571 : f32 to vector<16xf32>
      %max3A_573 = arith.maximumf %sub3A_567, %max3A_572 : vector<16xf32>
      %mul3A_574 = arith.mulf %max3A_570, %max3A_573 : vector<16xf32>
      %add3A_575 = arith.addf %add3A_561, %mul3A_574 : vector<16xf32>
      %mul3A_576 = arith.constant 5.000000e-01 : f32
      %mul3A_577 = vector.broadcast %mul3A_576 : f32 to vector<16xf32>
      %mul3A_578 = arith.mulf %mul3A_577, %add3A_575 : vector<16xf32>
      %add3A_579 = arith.addf %add3A_502, %mul3A_578 : vector<16xf32>
      %add3A_580 = arith.constant 6 : i32
      %add3A_581 = arith.addi %mul3A_118, %add3A_580 : i32
      %mul3A_582 = arith.constant 16 : i32
      %mul3A_583 = arith.muli %add3A_581, %mul3A_582 : i32
      %get3A_584 = arith.index_cast %mul3A_583 : i32 to index
      %get3A_585 = tpu.vector_load %arg7[%get3A_584] {strides = array<i32>} : memref<20480xf32, #tpu.memory_space<vmem>>, vector<16xf32>,
      %add3A_586 = arith.constant 5120 : i32
      %add3A_587 = arith.addi %add3A_586, %mul3A_583 : i32
      %get3A_588 = arith.index_cast %add3A_587 : i32 to index
      %get3A_589 = tpu.vector_load %arg7[%get3A_588] {strides = array<i32>} : memref<20480xf32, #tpu.memory_space<vmem>>, vector<16xf32>,
      %add3A_590 = arith.constant 10240 : i32
      %add3A_591 = arith.addi %add3A_590, %mul3A_583 : i32
      %get3A_592 = arith.index_cast %add3A_591 : i32 to index
      %get3A_593 = tpu.vector_load %arg7[%get3A_592] {strides = array<i32>} : memref<20480xf32, #tpu.memory_space<vmem>>, vector<16xf32>,
      %add3A_594 = arith.constant 15360 : i32
      %add3A_595 = arith.addi %add3A_594, %mul3A_583 : i32
      %get3A_596 = arith.index_cast %add3A_595 : i32 to index
      %get3A_597 = tpu.vector_load %arg7[%get3A_596] {strides = array<i32>} : memref<20480xf32, #tpu.memory_space<vmem>>, vector<16xf32>,
      %max3A_598 = arith.maximumf %gather3A_47, %get3A_593 : vector<16xf32>
      %max3A_599 = arith.maximumf %gather3A, %get3A_585 : vector<16xf32>
      %sub3A_600 = arith.subf %max3A_598, %max3A_599 : vector<16xf32>
      %max3A_601 = arith.maximumf %gather3A_51, %get3A_597 : vector<16xf32>
      %max3A_602 = arith.maximumf %gather3A_43, %get3A_589 : vector<16xf32>
      %sub3A_603 = arith.subf %max3A_601, %max3A_602 : vector<16xf32>
      %max3A_604 = arith.constant 0.000000e+00 : f32
      %max3A_605 = vector.broadcast %max3A_604 : f32 to vector<16xf32>
      %max3A_606 = arith.maximumf %sub3A_600, %max3A_605 : vector<16xf32>
      %max3A_607 = arith.constant 0.000000e+00 : f32
      %max3A_608 = vector.broadcast %max3A_607 : f32 to vector<16xf32>
      %max3A_609 = arith.maximumf %sub3A_603, %max3A_608 : vector<16xf32>
      %mul3A_610 = arith.mulf %max3A_606, %max3A_609 : vector<16xf32>
      %max3A_611 = arith.maximumf %gather3A_63, %get3A_593 : vector<16xf32>
      %max3A_612 = arith.maximumf %gather3A_55, %get3A_585 : vector<16xf32>
      %sub3A_613 = arith.subf %max3A_611, %max3A_612 : vector<16xf32>
      %max3A_614 = arith.maximumf %gather3A_67, %get3A_597 : vector<16xf32>
      %max3A_615 = arith.maximumf %gather3A_59, %get3A_589 : vector<16xf32>
      %sub3A_616 = arith.subf %max3A_614, %max3A_615 : vector<16xf32>
      %max3A_617 = arith.constant 0.000000e+00 : f32
      %max3A_618 = vector.broadcast %max3A_617 : f32 to vector<16xf32>
      %max3A_619 = arith.maximumf %sub3A_613, %max3A_618 : vector<16xf32>
      %max3A_620 = arith.constant 0.000000e+00 : f32
      %max3A_621 = vector.broadcast %max3A_620 : f32 to vector<16xf32>
      %max3A_622 = arith.maximumf %sub3A_616, %max3A_621 : vector<16xf32>
      %mul3A_623 = arith.mulf %max3A_619, %max3A_622 : vector<16xf32>
      %add3A_624 = arith.addf %mul3A_610, %mul3A_623 : vector<16xf32>
      %max3A_625 = arith.maximumf %gather3A_79, %get3A_593 : vector<16xf32>
      %max3A_626 = arith.maximumf %gather3A_71, %get3A_585 : vector<16xf32>
      %sub3A_627 = arith.subf %max3A_625, %max3A_626 : vector<16xf32>
      %max3A_628 = arith.maximumf %gather3A_83, %get3A_597 : vector<16xf32>
      %max3A_629 = arith.maximumf %gather3A_75, %get3A_589 : vector<16xf32>
      %sub3A_630 = arith.subf %max3A_628, %max3A_629 : vector<16xf32>
      %max3A_631 = arith.constant 0.000000e+00 : f32
      %max3A_632 = vector.broadcast %max3A_631 : f32 to vector<16xf32>
      %max3A_633 = arith.maximumf %sub3A_627, %max3A_632 : vector<16xf32>
      %max3A_634 = arith.constant 0.000000e+00 : f32
      %max3A_635 = vector.broadcast %max3A_634 : f32 to vector<16xf32>
      %max3A_636 = arith.maximumf %sub3A_630, %max3A_635 : vector<16xf32>
      %mul3A_637 = arith.mulf %max3A_633, %max3A_636 : vector<16xf32>
      %add3A_638 = arith.addf %add3A_624, %mul3A_637 : vector<16xf32>
      %max3A_639 = arith.maximumf %gather3A_95, %get3A_593 : vector<16xf32>
      %max3A_640 = arith.maximumf %gather3A_87, %get3A_585 : vector<16xf32>
      %sub3A_641 = arith.subf %max3A_639, %max3A_640 : vector<16xf32>
      %max3A_642 = arith.maximumf %gather3A_99, %get3A_597 : vector<16xf32>
      %max3A_643 = arith.maximumf %gather3A_91, %get3A_589 : vector<16xf32>
      %sub3A_644 = arith.subf %max3A_642, %max3A_643 : vector<16xf32>
      %max3A_645 = arith.constant 0.000000e+00 : f32
      %max3A_646 = vector.broadcast %max3A_645 : f32 to vector<16xf32>
      %max3A_647 = arith.maximumf %sub3A_641, %max3A_646 : vector<16xf32>
      %max3A_648 = arith.constant 0.000000e+00 : f32
      %max3A_649 = vector.broadcast %max3A_648 : f32 to vector<16xf32>
      %max3A_650 = arith.maximumf %sub3A_644, %max3A_649 : vector<16xf32>
      %mul3A_651 = arith.mulf %max3A_647, %max3A_650 : vector<16xf32>
      %add3A_652 = arith.addf %add3A_638, %mul3A_651 : vector<16xf32>
      %mul3A_653 = arith.constant 5.000000e-01 : f32
      %mul3A_654 = vector.broadcast %mul3A_653 : f32 to vector<16xf32>
      %mul3A_655 = arith.mulf %mul3A_654, %add3A_652 : vector<16xf32>
      %add3A_656 = arith.addf %add3A_579, %mul3A_655 : vector<16xf32>
      %add3A_657 = arith.constant 7 : i32
      %add3A_658 = arith.addi %mul3A_118, %add3A_657 : i32
      %mul3A_659 = arith.constant 16 : i32
      %mul3A_660 = arith.muli %add3A_658, %mul3A_659 : i32
      %get3A_661 = arith.index_cast %mul3A_660 : i32 to index
      %get3A_662 = tpu.vector_load %arg7[%get3A_661] {strides = array<i32>} : memref<20480xf32, #tpu.memory_space<vmem>>, vector<16xf32>,
      %add3A_663 = arith.constant 5120 : i32
      %add3A_664 = arith.addi %add3A_663, %mul3A_660 : i32
      %get3A_665 = arith.index_cast %add3A_664 : i32 to index
      %get3A_666 = tpu.vector_load %arg7[%get3A_665] {strides = array<i32>} : memref<20480xf32, #tpu.memory_space<vmem>>, vector<16xf32>,
      %add3A_667 = arith.constant 10240 : i32
      %add3A_668 = arith.addi %add3A_667, %mul3A_660 : i32
      %get3A_669 = arith.index_cast %add3A_668 : i32 to index
      %get3A_670 = tpu.vector_load %arg7[%get3A_669] {strides = array<i32>} : memref<20480xf32, #tpu.memory_space<vmem>>, vector<16xf32>,
      %add3A_671 = arith.constant 15360 : i32
      %add3A_672 = arith.addi %add3A_671, %mul3A_660 : i32
      %get3A_673 = arith.index_cast %add3A_672 : i32 to index
      %get3A_674 = tpu.vector_load %arg7[%get3A_673] {strides = array<i32>} : memref<20480xf32, #tpu.memory_space<vmem>>, vector<16xf32>,
      %max3A_675 = arith.maximumf %gather3A_47, %get3A_670 : vector<16xf32>
      %max3A_676 = arith.maximumf %gather3A, %get3A_662 : vector<16xf32>
      %sub3A_677 = arith.subf %max3A_675, %max3A_676 : vector<16xf32>
      %max3A_678 = arith.maximumf %gather3A_51, %get3A_674 : vector<16xf32>
      %max3A_679 = arith.maximumf %gather3A_43, %get3A_666 : vector<16xf32>
      %sub3A_680 = arith.subf %max3A_678, %max3A_679 : vector<16xf32>
      %max3A_681 = arith.constant 0.000000e+00 : f32
      %max3A_682 = vector.broadcast %max3A_681 : f32 to vector<16xf32>
      %max3A_683 = arith.maximumf %sub3A_677, %max3A_682 : vector<16xf32>
      %max3A_684 = arith.constant 0.000000e+00 : f32
      %max3A_685 = vector.broadcast %max3A_684 : f32 to vector<16xf32>
      %max3A_686 = arith.maximumf %sub3A_680, %max3A_685 : vector<16xf32>
      %mul3A_687 = arith.mulf %max3A_683, %max3A_686 : vector<16xf32>
      %max3A_688 = arith.maximumf %gather3A_63, %get3A_670 : vector<16xf32>
      %max3A_689 = arith.maximumf %gather3A_55, %get3A_662 : vector<16xf32>
      %sub3A_690 = arith.subf %max3A_688, %max3A_689 : vector<16xf32>
      %max3A_691 = arith.maximumf %gather3A_67, %get3A_674 : vector<16xf32>
      %max3A_692 = arith.maximumf %gather3A_59, %get3A_666 : vector<16xf32>
      %sub3A_693 = arith.subf %max3A_691, %max3A_692 : vector<16xf32>
      %max3A_694 = arith.constant 0.000000e+00 : f32
      %max3A_695 = vector.broadcast %max3A_694 : f32 to vector<16xf32>
      %max3A_696 = arith.maximumf %sub3A_690, %max3A_695 : vector<16xf32>
      %max3A_697 = arith.constant 0.000000e+00 : f32
      %max3A_698 = vector.broadcast %max3A_697 : f32 to vector<16xf32>
      %max3A_699 = arith.maximumf %sub3A_693, %max3A_698 : vector<16xf32>
      %mul3A_700 = arith.mulf %max3A_696, %max3A_699 : vector<16xf32>
      %add3A_701 = arith.addf %mul3A_687, %mul3A_700 : vector<16xf32>
      %max3A_702 = arith.maximumf %gather3A_79, %get3A_670 : vector<16xf32>
      %max3A_703 = arith.maximumf %gather3A_71, %get3A_662 : vector<16xf32>
      %sub3A_704 = arith.subf %max3A_702, %max3A_703 : vector<16xf32>
      %max3A_705 = arith.maximumf %gather3A_83, %get3A_674 : vector<16xf32>
      %max3A_706 = arith.maximumf %gather3A_75, %get3A_666 : vector<16xf32>
      %sub3A_707 = arith.subf %max3A_705, %max3A_706 : vector<16xf32>
      %max3A_708 = arith.constant 0.000000e+00 : f32
      %max3A_709 = vector.broadcast %max3A_708 : f32 to vector<16xf32>
      %max3A_710 = arith.maximumf %sub3A_704, %max3A_709 : vector<16xf32>
      %max3A_711 = arith.constant 0.000000e+00 : f32
      %max3A_712 = vector.broadcast %max3A_711 : f32 to vector<16xf32>
      %max3A_713 = arith.maximumf %sub3A_707, %max3A_712 : vector<16xf32>
      %mul3A_714 = arith.mulf %max3A_710, %max3A_713 : vector<16xf32>
      %add3A_715 = arith.addf %add3A_701, %mul3A_714 : vector<16xf32>
      %max3A_716 = arith.maximumf %gather3A_95, %get3A_670 : vector<16xf32>
      %max3A_717 = arith.maximumf %gather3A_87, %get3A_662 : vector<16xf32>
      %sub3A_718 = arith.subf %max3A_716, %max3A_717 : vector<16xf32>
      %max3A_719 = arith.maximumf %gather3A_99, %get3A_674 : vector<16xf32>
      %max3A_720 = arith.maximumf %gather3A_91, %get3A_666 : vector<16xf32>
      %sub3A_721 = arith.subf %max3A_719, %max3A_720 : vector<16xf32>
      %max3A_722 = arith.constant 0.000000e+00 : f32
      %max3A_723 = vector.broadcast %max3A_722 : f32 to vector<16xf32>
      %max3A_724 = arith.maximumf %sub3A_718, %max3A_723 : vector<16xf32>
      %max3A_725 = arith.constant 0.000000e+00 : f32
      %max3A_726 = vector.broadcast %max3A_725 : f32 to vector<16xf32>
      %max3A_727 = arith.maximumf %sub3A_721, %max3A_726 : vector<16xf32>
      %mul3A_728 = arith.mulf %max3A_724, %max3A_727 : vector<16xf32>
      %add3A_729 = arith.addf %add3A_715, %mul3A_728 : vector<16xf32>
      %mul3A_730 = arith.constant 5.000000e-01 : f32
      %mul3A_731 = vector.broadcast %mul3A_730 : f32 to vector<16xf32>
      %mul3A_732 = arith.mulf %mul3A_731, %add3A_729 : vector<16xf32>
      %add3A_733 = arith.addf %add3A_656, %mul3A_732 : vector<16xf32>
      %add3A_734 = arith.constant 8 : i32
      %add3A_735 = arith.addi %mul3A_118, %add3A_734 : i32
      %while3A = arith.constant 320 : i32
      %while3A_736 = arith.subi %while3A, %add3A_735 : i32
      %while3A_737 = arith.addi %add3A_735, %while3A_736 : i32
      %while3A_738 = arith.constant 1 : i32
      %while3A_739 = arith.divsi %while3A_736, %while3A_738 : i32
      %while3A_740 = arith.muli %while3A_739, %while3A_738 : i32
      %while3A_741 = arith.addi %add3A_735, %while3A_740 : i32
      %while3A_742 = arith.constant 1 : i32
      %while3A_743 = scf.for %while3A_746 = %add3A_735 to %while3A_741 step %while3A_742 iter_args(%while3A_747 = %add3A_733) -> (vector<16xf32>)  : i32 {
        %mul3A_748 = arith.constant 16 : i32
        %mul3A_749 = arith.muli %while3A_746, %mul3A_748 : i32
        %get3A_750 = arith.index_cast %mul3A_749 : i32 to index
        %get3A_751 = tpu.vector_load %arg7[%get3A_750] {strides = array<i32>} : memref<20480xf32, #tpu.memory_space<vmem>>, vector<16xf32>,
        %add3A_752 = arith.constant 5120 : i32
        %add3A_753 = arith.addi %add3A_752, %mul3A_749 : i32
        %get3A_754 = arith.index_cast %add3A_753 : i32 to index
        %get3A_755 = tpu.vector_load %arg7[%get3A_754] {strides = array<i32>} : memref<20480xf32, #tpu.memory_space<vmem>>, vector<16xf32>,
        %add3A_756 = arith.constant 10240 : i32
        %add3A_757 = arith.addi %add3A_756, %mul3A_749 : i32
        %get3A_758 = arith.index_cast %add3A_757 : i32 to index
        %get3A_759 = tpu.vector_load %arg7[%get3A_758] {strides = array<i32>} : memref<20480xf32, #tpu.memory_space<vmem>>, vector<16xf32>,
        %add3A_760 = arith.constant 15360 : i32
        %add3A_761 = arith.addi %add3A_760, %mul3A_749 : i32
        %get3A_762 = arith.index_cast %add3A_761 : i32 to index
        %get3A_763 = tpu.vector_load %arg7[%get3A_762] {strides = array<i32>} : memref<20480xf32, #tpu.memory_space<vmem>>, vector<16xf32>,
        %max3A_764 = arith.maximumf %gather3A_47, %get3A_759 : vector<16xf32>
        %max3A_765 = arith.maximumf %gather3A, %get3A_751 : vector<16xf32>
        %sub3A_766 = arith.subf %max3A_764, %max3A_765 : vector<16xf32>
        %max3A_767 = arith.maximumf %gather3A_51, %get3A_763 : vector<16xf32>
        %max3A_768 = arith.maximumf %gather3A_43, %get3A_755 : vector<16xf32>
        %sub3A_769 = arith.subf %max3A_767, %max3A_768 : vector<16xf32>
        %max3A_770 = arith.constant 0.000000e+00 : f32
        %max3A_771 = vector.broadcast %max3A_770 : f32 to vector<16xf32>
        %max3A_772 = arith.maximumf %sub3A_766, %max3A_771 : vector<16xf32>
        %max3A_773 = arith.constant 0.000000e+00 : f32
        %max3A_774 = vector.broadcast %max3A_773 : f32 to vector<16xf32>
        %max3A_775 = arith.maximumf %sub3A_769, %max3A_774 : vector<16xf32>
        %mul3A_776 = arith.mulf %max3A_772, %max3A_775 : vector<16xf32>
        %max3A_777 = arith.maximumf %gather3A_63, %get3A_759 : vector<16xf32>
        %max3A_778 = arith.maximumf %gather3A_55, %get3A_751 : vector<16xf32>
        %sub3A_779 = arith.subf %max3A_777, %max3A_778 : vector<16xf32>
        %max3A_780 = arith.maximumf %gather3A_67, %get3A_763 : vector<16xf32>
        %max3A_781 = arith.maximumf %gather3A_59, %get3A_755 : vector<16xf32>
        %sub3A_782 = arith.subf %max3A_780, %max3A_781 : vector<16xf32>
        %max3A_783 = arith.constant 0.000000e+00 : f32
        %max3A_784 = vector.broadcast %max3A_783 : f32 to vector<16xf32>
        %max3A_785 = arith.maximumf %sub3A_779, %max3A_784 : vector<16xf32>
        %max3A_786 = arith.constant 0.000000e+00 : f32
        %max3A_787 = vector.broadcast %max3A_786 : f32 to vector<16xf32>
        %max3A_788 = arith.maximumf %sub3A_782, %max3A_787 : vector<16xf32>
        %mul3A_789 = arith.mulf %max3A_785, %max3A_788 : vector<16xf32>
        %add3A_790 = arith.addf %mul3A_776, %mul3A_789 : vector<16xf32>
        %max3A_791 = arith.maximumf %gather3A_79, %get3A_759 : vector<16xf32>
        %max3A_792 = arith.maximumf %gather3A_71, %get3A_751 : vector<16xf32>
        %sub3A_793 = arith.subf %max3A_791, %max3A_792 : vector<16xf32>
        %max3A_794 = arith.maximumf %gather3A_83, %get3A_763 : vector<16xf32>
        %max3A_795 = arith.maximumf %gather3A_75, %get3A_755 : vector<16xf32>
        %sub3A_796 = arith.subf %max3A_794, %max3A_795 : vector<16xf32>
        %max3A_797 = arith.constant 0.000000e+00 : f32
        %max3A_798 = vector.broadcast %max3A_797 : f32 to vector<16xf32>
        %max3A_799 = arith.maximumf %sub3A_793, %max3A_798 : vector<16xf32>
        %max3A_800 = arith.constant 0.000000e+00 : f32
        %max3A_801 = vector.broadcast %max3A_800 : f32 to vector<16xf32>
        %max3A_802 = arith.maximumf %sub3A_796, %max3A_801 : vector<16xf32>
        %mul3A_803 = arith.mulf %max3A_799, %max3A_802 : vector<16xf32>
        %add3A_804 = arith.addf %add3A_790, %mul3A_803 : vector<16xf32>
        %max3A_805 = arith.maximumf %gather3A_95, %get3A_759 : vector<16xf32>
        %max3A_806 = arith.maximumf %gather3A_87, %get3A_751 : vector<16xf32>
        %sub3A_807 = arith.subf %max3A_805, %max3A_806 : vector<16xf32>
        %max3A_808 = arith.maximumf %gather3A_99, %get3A_763 : vector<16xf32>
        %max3A_809 = arith.maximumf %gather3A_91, %get3A_755 : vector<16xf32>
        %sub3A_810 = arith.subf %max3A_808, %max3A_809 : vector<16xf32>
        %max3A_811 = arith.constant 0.000000e+00 : f32
        %max3A_812 = vector.broadcast %max3A_811 : f32 to vector<16xf32>
        %max3A_813 = arith.maximumf %sub3A_807, %max3A_812 : vector<16xf32>
        %max3A_814 = arith.constant 0.000000e+00 : f32
        %max3A_815 = vector.broadcast %max3A_814 : f32 to vector<16xf32>
        %max3A_816 = arith.maximumf %sub3A_810, %max3A_815 : vector<16xf32>
        %mul3A_817 = arith.mulf %max3A_813, %max3A_816 : vector<16xf32>
        %add3A_818 = arith.addf %add3A_804, %mul3A_817 : vector<16xf32>
        %add3A_819 = arith.addf %while3A_747, %add3A_818 : vector<16xf32>
        scf.yield %add3A_819 : vector<16xf32>
      }
      %while3A_744 = arith.constant 1 : i32
      %while3A_745 = scf.for %while3A_746 = %while3A_741 to %while3A_737 step %while3A_744 iter_args(%while3A_747 = %while3A_743) -> (vector<16xf32>)  : i32 {
        %mul3A_748 = arith.constant 16 : i32
        %mul3A_749 = arith.muli %while3A_746, %mul3A_748 : i32
        %get3A_750 = arith.index_cast %mul3A_749 : i32 to index
        %get3A_751 = tpu.vector_load %arg7[%get3A_750] {strides = array<i32>} : memref<20480xf32, #tpu.memory_space<vmem>>, vector<16xf32>,
        %add3A_752 = arith.constant 5120 : i32
        %add3A_753 = arith.addi %add3A_752, %mul3A_749 : i32
        %get3A_754 = arith.index_cast %add3A_753 : i32 to index
        %get3A_755 = tpu.vector_load %arg7[%get3A_754] {strides = array<i32>} : memref<20480xf32, #tpu.memory_space<vmem>>, vector<16xf32>,
        %add3A_756 = arith.constant 10240 : i32
        %add3A_757 = arith.addi %add3A_756, %mul3A_749 : i32
        %get3A_758 = arith.index_cast %add3A_757 : i32 to index
        %get3A_759 = tpu.vector_load %arg7[%get3A_758] {strides = array<i32>} : memref<20480xf32, #tpu.memory_space<vmem>>, vector<16xf32>,
        %add3A_760 = arith.constant 15360 : i32
        %add3A_761 = arith.addi %add3A_760, %mul3A_749 : i32
        %get3A_762 = arith.index_cast %add3A_761 : i32 to index
        %get3A_763 = tpu.vector_load %arg7[%get3A_762] {strides = array<i32>} : memref<20480xf32, #tpu.memory_space<vmem>>, vector<16xf32>,
        %max3A_764 = arith.maximumf %gather3A_47, %get3A_759 : vector<16xf32>
        %max3A_765 = arith.maximumf %gather3A, %get3A_751 : vector<16xf32>
        %sub3A_766 = arith.subf %max3A_764, %max3A_765 : vector<16xf32>
        %max3A_767 = arith.maximumf %gather3A_51, %get3A_763 : vector<16xf32>
        %max3A_768 = arith.maximumf %gather3A_43, %get3A_755 : vector<16xf32>
        %sub3A_769 = arith.subf %max3A_767, %max3A_768 : vector<16xf32>
        %max3A_770 = arith.constant 0.000000e+00 : f32
        %max3A_771 = vector.broadcast %max3A_770 : f32 to vector<16xf32>
        %max3A_772 = arith.maximumf %sub3A_766, %max3A_771 : vector<16xf32>
        %max3A_773 = arith.constant 0.000000e+00 : f32
        %max3A_774 = vector.broadcast %max3A_773 : f32 to vector<16xf32>
        %max3A_775 = arith.maximumf %sub3A_769, %max3A_774 : vector<16xf32>
        %mul3A_776 = arith.mulf %max3A_772, %max3A_775 : vector<16xf32>
        %max3A_777 = arith.maximumf %gather3A_63, %get3A_759 : vector<16xf32>
        %max3A_778 = arith.maximumf %gather3A_55, %get3A_751 : vector<16xf32>
        %sub3A_779 = arith.subf %max3A_777, %max3A_778 : vector<16xf32>
        %max3A_780 = arith.maximumf %gather3A_67, %get3A_763 : vector<16xf32>
        %max3A_781 = arith.maximumf %gather3A_59, %get3A_755 : vector<16xf32>
        %sub3A_782 = arith.subf %max3A_780, %max3A_781 : vector<16xf32>
        %max3A_783 = arith.constant 0.000000e+00 : f32
        %max3A_784 = vector.broadcast %max3A_783 : f32 to vector<16xf32>
        %max3A_785 = arith.maximumf %sub3A_779, %max3A_784 : vector<16xf32>
        %max3A_786 = arith.constant 0.000000e+00 : f32
        %max3A_787 = vector.broadcast %max3A_786 : f32 to vector<16xf32>
        %max3A_788 = arith.maximumf %sub3A_782, %max3A_787 : vector<16xf32>
        %mul3A_789 = arith.mulf %max3A_785, %max3A_788 : vector<16xf32>
        %add3A_790 = arith.addf %mul3A_776, %mul3A_789 : vector<16xf32>
        %max3A_791 = arith.maximumf %gather3A_79, %get3A_759 : vector<16xf32>
        %max3A_792 = arith.maximumf %gather3A_71, %get3A_751 : vector<16xf32>
        %sub3A_793 = arith.subf %max3A_791, %max3A_792 : vector<16xf32>
        %max3A_794 = arith.maximumf %gather3A_83, %get3A_763 : vector<16xf32>
        %max3A_795 = arith.maximumf %gather3A_75, %get3A_755 : vector<16xf32>
        %sub3A_796 = arith.subf %max3A_794, %max3A_795 : vector<16xf32>
        %max3A_797 = arith.constant 0.000000e+00 : f32
        %max3A_798 = vector.broadcast %max3A_797 : f32 to vector<16xf32>
        %max3A_799 = arith.maximumf %sub3A_793, %max3A_798 : vector<16xf32>
        %max3A_800 = arith.constant 0.000000e+00 : f32
        %max3A_801 = vector.broadcast %max3A_800 : f32 to vector<16xf32>
        %max3A_802 = arith.maximumf %sub3A_796, %max3A_801 : vector<16xf32>
        %mul3A_803 = arith.mulf %max3A_799, %max3A_802 : vector<16xf32>
        %add3A_804 = arith.addf %add3A_790, %mul3A_803 : vector<16xf32>
        %max3A_805 = arith.maximumf %gather3A_95, %get3A_759 : vector<16xf32>
        %max3A_806 = arith.maximumf %gather3A_87, %get3A_751 : vector<16xf32>
        %sub3A_807 = arith.subf %max3A_805, %max3A_806 : vector<16xf32>
        %max3A_808 = arith.maximumf %gather3A_99, %get3A_763 : vector<16xf32>
        %max3A_809 = arith.maximumf %gather3A_91, %get3A_755 : vector<16xf32>
        %sub3A_810 = arith.subf %max3A_808, %max3A_809 : vector<16xf32>
        %max3A_811 = arith.constant 0.000000e+00 : f32
        %max3A_812 = vector.broadcast %max3A_811 : f32 to vector<16xf32>
        %max3A_813 = arith.maximumf %sub3A_807, %max3A_812 : vector<16xf32>
        %max3A_814 = arith.constant 0.000000e+00 : f32
        %max3A_815 = vector.broadcast %max3A_814 : f32 to vector<16xf32>
        %max3A_816 = arith.maximumf %sub3A_810, %max3A_815 : vector<16xf32>
        %mul3A_817 = arith.mulf %max3A_813, %max3A_816 : vector<16xf32>
        %add3A_818 = arith.addf %add3A_804, %mul3A_817 : vector<16xf32>
        %add3A_819 = arith.addf %while3A_747, %add3A_818 : vector<16xf32>
        scf.yield %add3A_819 : vector<16xf32>
      }
      scf.yield %while3A_745 : vector<16xf32>
    }
    %scan3A_23 = arith.constant 12 : i32
    %eq3A = arith.constant 0 : i32
    %eq3A_24 = arith.cmpi eq, %add3A, %eq3A : i32
    %convert_element_type3A = arith.extui %eq3A_24 : i1 to i32
    %cond3A = arith.constant 0 : i32
    %cond3A_25 = arith.cmpi ne, %convert_element_type3A, %cond3A : i32
    scf.if %cond3A_25 {
      %scan3A_30 = arith.constant 224 : i32
      %scan3A_31 = arith.constant 96 : i32
      %scan3A_32 = arith.addi %scan3A_30, %scan3A_31 : i32
      %scan3A_33 = arith.constant 1 : i32
      %scan3A_34 = scf.for %scan3A_37 = %scan3A_30 to %scan3A_32 step %scan3A_33 iter_args(%scan3A_38 = %scan3A_22) -> (vector<16xf32>)  : i32 {
        %mul3A_39 = arith.constant 16 : i32
        %mul3A_40 = arith.muli %scan3A_37, %mul3A_39 : i32
        %get3A_41 = arith.index_cast %mul3A_40 : i32 to index
        %get3A_42 = tpu.vector_load %arg6[%get3A_41] {strides = array<i32>} : memref<20480xf32, #tpu.memory_space<vmem>>, vector<16xf32>,
        %add3A_43 = arith.constant 5120 : i32
        %add3A_44 = arith.addi %add3A_43, %mul3A_40 : i32
        %get3A_45 = arith.index_cast %add3A_44 : i32 to index
        %get3A_46 = tpu.vector_load %arg6[%get3A_45] {strides = array<i32>} : memref<20480xf32, #tpu.memory_space<vmem>>, vector<16xf32>,
        %add3A_47 = arith.constant 10240 : i32
        %add3A_48 = arith.addi %add3A_47, %mul3A_40 : i32
        %get3A_49 = arith.index_cast %add3A_48 : i32 to index
        %get3A_50 = tpu.vector_load %arg6[%get3A_49] {strides = array<i32>} : memref<20480xf32, #tpu.memory_space<vmem>>, vector<16xf32>,
        %add3A_51 = arith.constant 15360 : i32
        %add3A_52 = arith.addi %add3A_51, %mul3A_40 : i32
        %get3A_53 = arith.index_cast %add3A_52 : i32 to index
        %get3A_54 = tpu.vector_load %arg6[%get3A_53] {strides = array<i32>} : memref<20480xf32, #tpu.memory_space<vmem>>, vector<16xf32>,
        %min3A = arith.minimumf %broadcast_in_dim3A_7, %get3A_50 : vector<16xf32>
        %max3A = arith.maximumf %broadcast_in_dim3A, %get3A_42 : vector<16xf32>
        %sub3A = arith.subf %min3A, %max3A : vector<16xf32>
        %add3A_55 = arith.constant 1.000000e+00 : f32
        %add3A_56 = vector.broadcast %add3A_55 : f32 to vector<16xf32>
        %add3A_57 = arith.addf %sub3A, %add3A_56 : vector<16xf32>
        %max3A_58 = arith.constant 0.000000e+00 : f32
        %max3A_59 = vector.broadcast %max3A_58 : f32 to vector<16xf32>
        %max3A_60 = arith.maximumf %add3A_57, %max3A_59 : vector<16xf32>
        %min3A_61 = arith.minimumf %broadcast_in_dim3A_10, %get3A_54 : vector<16xf32>
        %max3A_62 = arith.maximumf %broadcast_in_dim3A_4, %get3A_46 : vector<16xf32>
        %sub3A_63 = arith.subf %min3A_61, %max3A_62 : vector<16xf32>
        %add3A_64 = arith.constant 1.000000e+00 : f32
        %add3A_65 = vector.broadcast %add3A_64 : f32 to vector<16xf32>
        %add3A_66 = arith.addf %sub3A_63, %add3A_65 : vector<16xf32>
        %max3A_67 = arith.constant 0.000000e+00 : f32
        %max3A_68 = vector.broadcast %max3A_67 : f32 to vector<16xf32>
        %max3A_69 = arith.maximumf %add3A_66, %max3A_68 : vector<16xf32>
        %mul3A_70 = arith.mulf %max3A_60, %max3A_69 : vector<16xf32>
        %mul3A_71 = arith.constant 5.000000e-01 : f32
        %mul3A_72 = vector.broadcast %mul3A_71 : f32 to vector<16xf32>
        %mul3A_73 = arith.mulf %mul3A_72, %mul3A_70 : vector<16xf32>
        %sub3A_74 = arith.subf %scan3A_38, %mul3A_73 : vector<16xf32>
        scf.yield %sub3A_74 : vector<16xf32>
      }
      %scan3A_35 = arith.constant 96 : i32
      %swap3A = arith.constant 0 : index
      %swap3A_36 = tpu.vector_load %arg8[%swap3A] {strides = array<i32>} : memref<16xf32, #tpu.memory_space<vmem>>, vector<16xf32>,
      tpu.vector_store %arg8[%swap3A], %scan3A_34 {strides = array<i32>} : memref<16xf32, #tpu.memory_space<vmem>>, vector<16xf32>,
    } else {
    }
    %ne3A = arith.constant 0 : i32
    %ne3A_26 = arith.cmpi ne, %add3A, %ne3A : i32
    %convert_element_type3A_27 = arith.extui %ne3A_26 : i1 to i32
    %cond3A_28 = arith.constant 0 : i32
    %cond3A_29 = arith.cmpi ne, %convert_element_type3A_27, %cond3A_28 : i32
    scf.if %cond3A_29 {
      %swap3A = arith.constant 0 : index
      %swap3A_30 = tpu.vector_load %arg8[%swap3A] {strides = array<i32>} : memref<16xf32, #tpu.memory_space<vmem>>, vector<16xf32>,
      tpu.vector_store %arg8[%swap3A], %scan3A_22 {strides = array<i32>} : memref<16xf32, #tpu.memory_space<vmem>>, vector<16xf32>,
    } else {
    }
    "tpu.region"() ({
      %run_scoped3A = tpu.sem_alloc : memref<!tpu.dma_semaphore, #tpu.memory_space<semaphore_mem>>
      %dma_start3A = arith.constant 0 : i32
      %dma_start3A_30 = tpu.memref_slice %arg4[%add3A, %dma_start3A] : memref<32x16xf32, #tpu.memory_space<hbm>> -> memref<1x16xf32, #tpu.memory_space<hbm>>
      %dma_start3A_31 = tpu.memref_squeeze %dma_start3A_30 : memref<1x16xf32, #tpu.memory_space<hbm>> -> memref<16xf32, #tpu.memory_space<hbm>>
      %dma_start3A_32 = arith.constant 0 : i32
      %dma_start3A_33 = tpu.memref_slice %arg4[%add3A, %dma_start3A_32] : memref<32x16xf32, #tpu.memory_space<hbm>> -> memref<1x16xf32, #tpu.memory_space<hbm>>
      %dma_start3A_34 = tpu.memref_squeeze %dma_start3A_33 : memref<1x16xf32, #tpu.memory_space<hbm>> -> memref<16xf32, #tpu.memory_space<hbm>>
      tpu.enqueue_dma source(%arg8 : memref<16xf32, #tpu.memory_space<vmem>>) target(%dma_start3A_34 : memref<16xf32, #tpu.memory_space<hbm>>) target_semaphore(%run_scoped3A : memref<!tpu.dma_semaphore, #tpu.memory_space<semaphore_mem>>)
      %dma_wait3A = arith.constant 0 : i32
      %dma_wait3A_35 = tpu.memref_slice %arg4[%add3A, %dma_wait3A] : memref<32x16xf32, #tpu.memory_space<hbm>> -> memref<1x16xf32, #tpu.memory_space<hbm>>
      %dma_wait3A_36 = tpu.memref_squeeze %dma_wait3A_35 : memref<1x16xf32, #tpu.memory_space<hbm>> -> memref<16xf32, #tpu.memory_space<hbm>>
      %dma_wait3A_37 = arith.constant 0 : i32
      %dma_wait3A_38 = tpu.memref_slice %arg4[%add3A, %dma_wait3A_37] : memref<32x16xf32, #tpu.memory_space<hbm>> -> memref<1x16xf32, #tpu.memory_space<hbm>>
      %dma_wait3A_39 = tpu.memref_squeeze %dma_wait3A_38 : memref<1x16xf32, #tpu.memory_space<hbm>> -> memref<16xf32, #tpu.memory_space<hbm>>
      tpu.wait_dma2 semaphore(%run_scoped3A : memref<!tpu.dma_semaphore, #tpu.memory_space<semaphore_mem>>) src(%arg8 : memref<16xf32, #tpu.memory_space<vmem>>) dst(%dma_wait3A_39 : memref<16xf32, #tpu.memory_space<hbm>>)
      tpu.yield
    }) : () -> ()
    return
  }
}

module attributes {stable_mosaic.version = 14 : i64} {
  func.func @_tc_kernel(%arg0: memref<1x4xf32, #tpu.memory_space<vmem>>, %arg1: memref<4x5120xf32, #tpu.memory_space<vmem>>, %arg2: memref<1x1xf32, #tpu.memory_space<vmem>>, %arg3: memref<1x1xf32, #tpu.memory_space<vmem>>, %arg4: memref<1x5120xf32, #tpu.memory_space<vmem>>, %arg5: memref<8x5120xf32, #tpu.memory_space<vmem>>, %arg6: memref<1024x256xf32, #tpu.memory_space<vmem>>) attributes {dimension_semantics = [], scalar_prefetch = 0 : i64, scratch_operands = 2 : i64, tpu.core_type = #tpu.core_type<tc>} {
    %get3A = arith.constant 0 : index
    %get3A_0 = arith.constant 0 : index
    %get3A_1 = vector.load %arg0[%get3A, %get3A_0] : memref<1x4xf32, #tpu.memory_space<vmem>>, vector<1x1xf32>
    %get3A_2 = arith.constant 0 : index
    %get3A_3 = arith.constant 1 : index
    %get3A_4 = vector.load %arg0[%get3A_2, %get3A_3] : memref<1x4xf32, #tpu.memory_space<vmem>>, vector<1x1xf32>
    %get3A_5 = arith.constant 0 : index
    %get3A_6 = arith.constant 2 : index
    %get3A_7 = vector.load %arg0[%get3A_5, %get3A_6] : memref<1x4xf32, #tpu.memory_space<vmem>>, vector<1x1xf32>
    %get3A_8 = arith.constant 0 : index
    %get3A_9 = arith.constant 3 : index
    %get3A_10 = vector.load %arg0[%get3A_8, %get3A_9] : memref<1x4xf32, #tpu.memory_space<vmem>>, vector<1x1xf32>
    %get3A_11 = arith.constant 0 : index
    %get3A_12 = arith.constant 0 : index
    %get3A_13 = vector.load %arg1[%get3A_11, %get3A_12] : memref<4x5120xf32, #tpu.memory_space<vmem>>, vector<1x5120xf32>
    %get3A_14 = arith.constant 1 : index
    %get3A_15 = arith.constant 0 : index
    %get3A_16 = vector.load %arg1[%get3A_14, %get3A_15] : memref<4x5120xf32, #tpu.memory_space<vmem>>, vector<1x5120xf32>
    %get3A_17 = arith.constant 2 : index
    %get3A_18 = arith.constant 0 : index
    %get3A_19 = vector.load %arg1[%get3A_17, %get3A_18] : memref<4x5120xf32, #tpu.memory_space<vmem>>, vector<1x5120xf32>
    %get3A_20 = arith.constant 3 : index
    %get3A_21 = arith.constant 0 : index
    %get3A_22 = vector.load %arg1[%get3A_20, %get3A_21] : memref<4x5120xf32, #tpu.memory_space<vmem>>, vector<1x5120xf32>
    %max3A = vector.broadcast %get3A_1 : vector<1x1xf32> to vector<1x5120xf32>
    %max3A_23 = arith.maximumf %max3A, %get3A_13 : vector<1x5120xf32>
    %max3A_24 = vector.broadcast %get3A_4 : vector<1x1xf32> to vector<1x5120xf32>
    %max3A_25 = arith.maximumf %max3A_24, %get3A_16 : vector<1x5120xf32>
    %min3A = vector.broadcast %get3A_7 : vector<1x1xf32> to vector<1x5120xf32>
    %min3A_26 = arith.minimumf %min3A, %get3A_19 : vector<1x5120xf32>
    %min3A_27 = vector.broadcast %get3A_10 : vector<1x1xf32> to vector<1x5120xf32>
    %min3A_28 = arith.minimumf %min3A_27, %get3A_22 : vector<1x5120xf32>
    %sub3A = arith.subf %min3A_26, %max3A_23 : vector<1x5120xf32>
    %add3A = arith.constant 1.000000e+00 : f32
    %add3A_29 = vector.broadcast %add3A : f32 to vector<1x5120xf32>
    %add3A_30 = arith.addf %sub3A, %add3A_29 : vector<1x5120xf32>
    %max3A_31 = arith.constant 0.000000e+00 : f32
    %max3A_32 = vector.broadcast %max3A_31 : f32 to vector<1x5120xf32>
    %max3A_33 = arith.maximumf %add3A_30, %max3A_32 : vector<1x5120xf32>
    %sub3A_34 = arith.subf %min3A_28, %max3A_25 : vector<1x5120xf32>
    %add3A_35 = arith.constant 1.000000e+00 : f32
    %add3A_36 = vector.broadcast %add3A_35 : f32 to vector<1x5120xf32>
    %add3A_37 = arith.addf %sub3A_34, %add3A_36 : vector<1x5120xf32>
    %max3A_38 = arith.constant 0.000000e+00 : f32
    %max3A_39 = vector.broadcast %max3A_38 : f32 to vector<1x5120xf32>
    %max3A_40 = arith.maximumf %add3A_37, %max3A_39 : vector<1x5120xf32>
    %mul3A = arith.mulf %max3A_33, %max3A_40 : vector<1x5120xf32>
    %gt3A = arith.constant 0.000000e+00 : f32
    %gt3A_41 = vector.broadcast %gt3A : f32 to vector<1x5120xf32>
    %gt3A_42 = arith.cmpf ogt, %mul3A, %gt3A_41 : vector<1x5120xf32>
    %jit3A = arith.constant 1.000000e+09 : f32
    %broadcast_in_dim3A = vector.broadcast %jit3A : f32 to vector<1x5120xf32>
    %select_n3A = arith.select %gt3A_42, %max3A_23, %broadcast_in_dim3A : vector<1x5120xi1>, vector<1x5120xf32>
    %swap3A = arith.constant 0 : index
    %swap3A_43 = arith.constant 0 : index
    %swap3A_44 = vector.load %arg5[%swap3A, %swap3A_43] : memref<8x5120xf32, #tpu.memory_space<vmem>>, vector<1x5120xf32>
    tpu.vector_store %arg5[%swap3A, %swap3A_43], %select_n3A {strides = array<i32>} : memref<8x5120xf32, #tpu.memory_space<vmem>>, vector<1x5120xf32>,
    %jit3A_45 = arith.constant 1.000000e+09 : f32
    %broadcast_in_dim3A_46 = vector.broadcast %jit3A_45 : f32 to vector<1x5120xf32>
    %select_n3A_47 = arith.select %gt3A_42, %max3A_25, %broadcast_in_dim3A_46 : vector<1x5120xi1>, vector<1x5120xf32>
    %swap3A_48 = arith.constant 1 : index
    %swap3A_49 = arith.constant 0 : index
    %swap3A_50 = vector.load %arg5[%swap3A_48, %swap3A_49] : memref<8x5120xf32, #tpu.memory_space<vmem>>, vector<1x5120xf32>
    tpu.vector_store %arg5[%swap3A_48, %swap3A_49], %select_n3A_47 {strides = array<i32>} : memref<8x5120xf32, #tpu.memory_space<vmem>>, vector<1x5120xf32>,
    %jit3A_51 = arith.constant -1.000000e+09 : f32
    %broadcast_in_dim3A_52 = vector.broadcast %jit3A_51 : f32 to vector<1x5120xf32>
    %select_n3A_53 = arith.select %gt3A_42, %min3A_26, %broadcast_in_dim3A_52 : vector<1x5120xi1>, vector<1x5120xf32>
    %add3A_54 = arith.constant 1.000000e+00 : f32
    %add3A_55 = vector.broadcast %add3A_54 : f32 to vector<1x5120xf32>
    %add3A_56 = arith.addf %select_n3A_53, %add3A_55 : vector<1x5120xf32>
    %swap3A_57 = arith.constant 2 : index
    %swap3A_58 = arith.constant 0 : index
    %swap3A_59 = vector.load %arg5[%swap3A_57, %swap3A_58] : memref<8x5120xf32, #tpu.memory_space<vmem>>, vector<1x5120xf32>
    tpu.vector_store %arg5[%swap3A_57, %swap3A_58], %add3A_56 {strides = array<i32>} : memref<8x5120xf32, #tpu.memory_space<vmem>>, vector<1x5120xf32>,
    %jit3A_60 = arith.constant -1.000000e+09 : f32
    %broadcast_in_dim3A_61 = vector.broadcast %jit3A_60 : f32 to vector<1x5120xf32>
    %select_n3A_62 = arith.select %gt3A_42, %min3A_28, %broadcast_in_dim3A_61 : vector<1x5120xi1>, vector<1x5120xf32>
    %add3A_63 = arith.constant 1.000000e+00 : f32
    %add3A_64 = vector.broadcast %add3A_63 : f32 to vector<1x5120xf32>
    %add3A_65 = arith.addf %select_n3A_62, %add3A_64 : vector<1x5120xf32>
    %swap3A_66 = arith.constant 3 : index
    %swap3A_67 = arith.constant 0 : index
    %swap3A_68 = vector.load %arg5[%swap3A_66, %swap3A_67] : memref<8x5120xf32, #tpu.memory_space<vmem>>, vector<1x5120xf32>
    tpu.vector_store %arg5[%swap3A_66, %swap3A_67], %add3A_65 {strides = array<i32>} : memref<8x5120xf32, #tpu.memory_space<vmem>>, vector<1x5120xf32>,
    %sub3A_69 = arith.subf %get3A_19, %get3A_13 : vector<1x5120xf32>
    %add3A_70 = arith.constant 1.000000e+00 : f32
    %add3A_71 = vector.broadcast %add3A_70 : f32 to vector<1x5120xf32>
    %add3A_72 = arith.addf %sub3A_69, %add3A_71 : vector<1x5120xf32>
    %sub3A_73 = arith.subf %get3A_22, %get3A_16 : vector<1x5120xf32>
    %add3A_74 = arith.constant 1.000000e+00 : f32
    %add3A_75 = vector.broadcast %add3A_74 : f32 to vector<1x5120xf32>
    %add3A_76 = arith.addf %sub3A_73, %add3A_75 : vector<1x5120xf32>
    %mul3A_77 = arith.mulf %add3A_72, %add3A_76 : vector<1x5120xf32>
    %div3A = arith.divf %mul3A, %mul3A_77 : vector<1x5120xf32>
    %swap3A_78 = arith.constant 0 : index
    %swap3A_79 = arith.constant 0 : index
    %swap3A_80 = vector.load %arg4[%swap3A_78, %swap3A_79] : memref<1x5120xf32, #tpu.memory_space<vmem>>, vector<1x5120xf32>
    tpu.vector_store %arg4[%swap3A_78, %swap3A_79], %div3A {strides = array<i32>} : memref<1x5120xf32, #tpu.memory_space<vmem>>, vector<1x5120xf32>,
    %reduce_sum3A = vector.shape_cast %mul3A : vector<1x5120xf32> to vector<1x1x5120xf32>
    %reduce_sum3A_81 = arith.constant dense<0.000000e+00> : vector<1xf32>
    %reduce_sum3A_82 = vector.multi_reduction <add>, %reduce_sum3A, %reduce_sum3A_81 [1, 2] : vector<1x1x5120xf32> to vector<1xf32>
    %reduce_sum3A_83 = vector.shape_cast %reduce_sum3A_82 : vector<1xf32> to vector<1x1x1xf32>
    %reduce_sum3A_84 = vector.extract %reduce_sum3A_83[0, 0, 0] : f32 from vector<1x1x1xf32>
    %reshape3A = vector.broadcast %reduce_sum3A_84 : f32 to vector<1x1xf32>
    %swap3A_85 = arith.constant 0 : index
    %swap3A_86 = arith.constant 0 : index
    %swap3A_87 = vector.load %arg3[%swap3A_85, %swap3A_86] : memref<1x1xf32, #tpu.memory_space<vmem>>, vector<1x1xf32>
    tpu.vector_store %arg3[%swap3A_85, %swap3A_86], %reshape3A {strides = array<i32>} : memref<1x1xf32, #tpu.memory_space<vmem>>, vector<1x1xf32>,
    %slice3A = vector.extract_strided_slice %mul3A {offsets = [0, 0], sizes = [1, 3584], strides = [1, 1]} : vector<1x5120xf32> to vector<1x3584xf32>
    %reduce_sum3A_88 = vector.shape_cast %slice3A : vector<1x3584xf32> to vector<1x1x3584xf32>
    %reduce_sum3A_89 = arith.constant dense<0.000000e+00> : vector<1xf32>
    %reduce_sum3A_90 = vector.multi_reduction <add>, %reduce_sum3A_88, %reduce_sum3A_89 [1, 2] : vector<1x1x3584xf32> to vector<1xf32>
    %reduce_sum3A_91 = vector.shape_cast %reduce_sum3A_90 : vector<1xf32> to vector<1x1x1xf32>
    %reduce_sum3A_92 = vector.extract %reduce_sum3A_91[0, 0, 0] : f32 from vector<1x1x1xf32>
    %broadcast_in_dim3A_93 = arith.constant 0.000000e+00 : f32
    %broadcast_in_dim3A_94 = vector.broadcast %broadcast_in_dim3A_93 : f32 to vector<1x256xf32>
    %scan3A = arith.constant 0 : i32
    %scan3A_95 = arith.constant 14 : i32
    %scan3A_96 = arith.addi %scan3A, %scan3A_95 : i32
    %scan3A_97 = arith.constant 1 : i32
    %scan3A_98:2 = scf.for %scan3A_118 = %scan3A to %scan3A_96 step %scan3A_97 iter_args(%scan3A_119 = %broadcast_in_dim3A_94, %scan3A_120 = %broadcast_in_dim3A_94) -> (vector<1x256xf32>, vector<1x256xf32>)  : i32 {
      %mul3A_121 = arith.constant 256 : i32
      %mul3A_122 = arith.muli %scan3A_118, %mul3A_121 : i32
      %get3A_123 = arith.constant 0 : index
      %get3A_124 = arith.index_cast %mul3A_122 : i32 to index
      %get3A_125 = vector.load %arg5[%get3A_123, %get3A_124] : memref<8x5120xf32, #tpu.memory_space<vmem>>, vector<1x256xf32>
      %broadcast_in_dim3A_126 = vector.shape_cast %get3A_125 : vector<1x256xf32> to vector<1x256xf32>
      %broadcast_in_dim3A_127 = vector.broadcast %broadcast_in_dim3A_126 : vector<1x256xf32> to vector<256x256xf32>
      %transpose3A = tpu.transpose %broadcast_in_dim3A_127, [1, 0] : vector<256x256xf32> -> vector<256x256xf32>
      %swap3A_128 = arith.constant 0 : index
      %swap3A_129 = arith.constant 0 : index
      %swap3A_130 = vector.load %arg6[%swap3A_128, %swap3A_129] : memref<1024x256xf32, #tpu.memory_space<vmem>>, vector<256x256xf32>
      tpu.vector_store %arg6[%swap3A_128, %swap3A_129], %transpose3A {strides = array<i32>} : memref<1024x256xf32, #tpu.memory_space<vmem>>, vector<256x256xf32>,
      %get3A_131 = arith.constant 1 : index
      %get3A_132 = arith.index_cast %mul3A_122 : i32 to index
      %get3A_133 = vector.load %arg5[%get3A_131, %get3A_132] : memref<8x5120xf32, #tpu.memory_space<vmem>>, vector<1x256xf32>
      %broadcast_in_dim3A_134 = vector.shape_cast %get3A_133 : vector<1x256xf32> to vector<1x256xf32>
      %broadcast_in_dim3A_135 = vector.broadcast %broadcast_in_dim3A_134 : vector<1x256xf32> to vector<256x256xf32>
      %transpose3A_136 = tpu.transpose %broadcast_in_dim3A_135, [1, 0] : vector<256x256xf32> -> vector<256x256xf32>
      %swap3A_137 = arith.constant 256 : index
      %swap3A_138 = arith.constant 0 : index
      %swap3A_139 = vector.load %arg6[%swap3A_137, %swap3A_138] : memref<1024x256xf32, #tpu.memory_space<vmem>>, vector<256x256xf32>
      tpu.vector_store %arg6[%swap3A_137, %swap3A_138], %transpose3A_136 {strides = array<i32>} : memref<1024x256xf32, #tpu.memory_space<vmem>>, vector<256x256xf32>,
      %get3A_140 = arith.constant 2 : index
      %get3A_141 = arith.index_cast %mul3A_122 : i32 to index
      %get3A_142 = vector.load %arg5[%get3A_140, %get3A_141] : memref<8x5120xf32, #tpu.memory_space<vmem>>, vector<1x256xf32>
      %broadcast_in_dim3A_143 = vector.shape_cast %get3A_142 : vector<1x256xf32> to vector<1x256xf32>
      %broadcast_in_dim3A_144 = vector.broadcast %broadcast_in_dim3A_143 : vector<1x256xf32> to vector<256x256xf32>
      %transpose3A_145 = tpu.transpose %broadcast_in_dim3A_144, [1, 0] : vector<256x256xf32> -> vector<256x256xf32>
      %swap3A_146 = arith.constant 512 : index
      %swap3A_147 = arith.constant 0 : index
      %swap3A_148 = vector.load %arg6[%swap3A_146, %swap3A_147] : memref<1024x256xf32, #tpu.memory_space<vmem>>, vector<256x256xf32>
      tpu.vector_store %arg6[%swap3A_146, %swap3A_147], %transpose3A_145 {strides = array<i32>} : memref<1024x256xf32, #tpu.memory_space<vmem>>, vector<256x256xf32>,
      %get3A_149 = arith.constant 3 : index
      %get3A_150 = arith.index_cast %mul3A_122 : i32 to index
      %get3A_151 = vector.load %arg5[%get3A_149, %get3A_150] : memref<8x5120xf32, #tpu.memory_space<vmem>>, vector<1x256xf32>
      %broadcast_in_dim3A_152 = vector.shape_cast %get3A_151 : vector<1x256xf32> to vector<1x256xf32>
      %broadcast_in_dim3A_153 = vector.broadcast %broadcast_in_dim3A_152 : vector<1x256xf32> to vector<256x256xf32>
      %transpose3A_154 = tpu.transpose %broadcast_in_dim3A_153, [1, 0] : vector<256x256xf32> -> vector<256x256xf32>
      %swap3A_155 = arith.constant 768 : index
      %swap3A_156 = arith.constant 0 : index
      %swap3A_157 = vector.load %arg6[%swap3A_155, %swap3A_156] : memref<1024x256xf32, #tpu.memory_space<vmem>>, vector<256x256xf32>
      tpu.vector_store %arg6[%swap3A_155, %swap3A_156], %transpose3A_154 {strides = array<i32>} : memref<1024x256xf32, #tpu.memory_space<vmem>>, vector<256x256xf32>,
      %while3A = arith.constant 20 : i32
      %while3A_158 = arith.subi %while3A, %scan3A_118 : i32
      %while3A_159 = arith.addi %scan3A_118, %while3A_158 : i32
      %while3A_160 = arith.constant 1 : i32
      %while3A_161 = arith.divsi %while3A_158, %while3A_160 : i32
      %while3A_162 = arith.muli %while3A_161, %while3A_160 : i32
      %while3A_163 = arith.addi %scan3A_118, %while3A_162 : i32
      %while3A_164 = arith.constant 1 : i32
      %while3A_165:2 = scf.for %while3A_168 = %scan3A_118 to %while3A_163 step %while3A_164 iter_args(%while3A_169 = %scan3A_119, %while3A_170 = %scan3A_120) -> (vector<1x256xf32>, vector<1x256xf32>)  : i32 {
        %mul3A_171 = arith.constant 256 : i32
        %mul3A_172 = arith.muli %while3A_168, %mul3A_171 : i32
        %get3A_173 = arith.constant 0 : index
        %get3A_174 = arith.index_cast %mul3A_172 : i32 to index
        %get3A_175 = vector.load %arg5[%get3A_173, %get3A_174] : memref<8x5120xf32, #tpu.memory_space<vmem>>, vector<1x256xf32>
        %get3A_176 = arith.constant 1 : index
        %get3A_177 = arith.index_cast %mul3A_172 : i32 to index
        %get3A_178 = vector.load %arg5[%get3A_176, %get3A_177] : memref<8x5120xf32, #tpu.memory_space<vmem>>, vector<1x256xf32>
        %get3A_179 = arith.constant 2 : index
        %get3A_180 = arith.index_cast %mul3A_172 : i32 to index
        %get3A_181 = vector.load %arg5[%get3A_179, %get3A_180] : memref<8x5120xf32, #tpu.memory_space<vmem>>, vector<1x256xf32>
        %get3A_182 = arith.constant 3 : index
        %get3A_183 = arith.index_cast %mul3A_172 : i32 to index
        %get3A_184 = vector.load %arg5[%get3A_182, %get3A_183] : memref<8x5120xf32, #tpu.memory_space<vmem>>, vector<1x256xf32>
        %broadcast_in_dim3A_185 = arith.constant 0.000000e+00 : f32
        %broadcast_in_dim3A_186 = vector.broadcast %broadcast_in_dim3A_185 : f32 to vector<1x256xf32>
        %get3A_187 = arith.constant 512 : index
        %get3A_188 = arith.constant 0 : index
        %get3A_189 = vector.load %arg6[%get3A_187, %get3A_188] : memref<1024x256xf32, #tpu.memory_space<vmem>>, vector<64x256xf32>
        %max3A_190 = vector.broadcast %get3A_181 : vector<1x256xf32> to vector<64x256xf32>
        %max3A_191 = arith.maximumf %get3A_189, %max3A_190 : vector<64x256xf32>
        %get3A_192 = arith.constant 0 : index
        %get3A_193 = arith.constant 0 : index
        %get3A_194 = vector.load %arg6[%get3A_192, %get3A_193] : memref<1024x256xf32, #tpu.memory_space<vmem>>, vector<64x256xf32>
        %max3A_195 = vector.broadcast %get3A_175 : vector<1x256xf32> to vector<64x256xf32>
        %max3A_196 = arith.maximumf %get3A_194, %max3A_195 : vector<64x256xf32>
        %sub3A_197 = arith.subf %max3A_191, %max3A_196 : vector<64x256xf32>
        %get3A_198 = arith.constant 768 : index
        %get3A_199 = arith.constant 0 : index
        %get3A_200 = vector.load %arg6[%get3A_198, %get3A_199] : memref<1024x256xf32, #tpu.memory_space<vmem>>, vector<64x256xf32>
        %max3A_201 = vector.broadcast %get3A_184 : vector<1x256xf32> to vector<64x256xf32>
        %max3A_202 = arith.maximumf %get3A_200, %max3A_201 : vector<64x256xf32>
        %get3A_203 = arith.constant 256 : index
        %get3A_204 = arith.constant 0 : index
        %get3A_205 = vector.load %arg6[%get3A_203, %get3A_204] : memref<1024x256xf32, #tpu.memory_space<vmem>>, vector<64x256xf32>
        %max3A_206 = vector.broadcast %get3A_178 : vector<1x256xf32> to vector<64x256xf32>
        %max3A_207 = arith.maximumf %get3A_205, %max3A_206 : vector<64x256xf32>
        %sub3A_208 = arith.subf %max3A_202, %max3A_207 : vector<64x256xf32>
        %max3A_209 = arith.constant 0.000000e+00 : f32
        %max3A_210 = vector.broadcast %max3A_209 : f32 to vector<64x256xf32>
        %max3A_211 = arith.maximumf %sub3A_197, %max3A_210 : vector<64x256xf32>
        %max3A_212 = arith.constant 0.000000e+00 : f32
        %max3A_213 = vector.broadcast %max3A_212 : f32 to vector<64x256xf32>
        %max3A_214 = arith.maximumf %sub3A_208, %max3A_213 : vector<64x256xf32>
        %mul3A_215 = arith.mulf %max3A_211, %max3A_214 : vector<64x256xf32>
        %reduce_sum3A_216 = arith.constant dense<0.000000e+00> : vector<256xf32>
        %reduce_sum3A_217 = vector.multi_reduction <add>, %mul3A_215, %reduce_sum3A_216 [0] : vector<64x256xf32> to vector<256xf32>
        %broadcast_in_dim3A_218 = vector.shape_cast %reduce_sum3A_217 : vector<256xf32> to vector<1x256xf32>
        %add3A_219 = arith.addf %broadcast_in_dim3A_186, %broadcast_in_dim3A_218 : vector<1x256xf32>
        %get3A_220 = arith.constant 576 : index
        %get3A_221 = arith.constant 0 : index
        %get3A_222 = vector.load %arg6[%get3A_220, %get3A_221] : memref<1024x256xf32, #tpu.memory_space<vmem>>, vector<64x256xf32>
        %max3A_223 = vector.broadcast %get3A_181 : vector<1x256xf32> to vector<64x256xf32>
        %max3A_224 = arith.maximumf %get3A_222, %max3A_223 : vector<64x256xf32>
        %get3A_225 = arith.constant 64 : index
        %get3A_226 = arith.constant 0 : index
        %get3A_227 = vector.load %arg6[%get3A_225, %get3A_226] : memref<1024x256xf32, #tpu.memory_space<vmem>>, vector<64x256xf32>
        %max3A_228 = vector.broadcast %get3A_175 : vector<1x256xf32> to vector<64x256xf32>
        %max3A_229 = arith.maximumf %get3A_227, %max3A_228 : vector<64x256xf32>
        %sub3A_230 = arith.subf %max3A_224, %max3A_229 : vector<64x256xf32>
        %get3A_231 = arith.constant 832 : index
        %get3A_232 = arith.constant 0 : index
        %get3A_233 = vector.load %arg6[%get3A_231, %get3A_232] : memref<1024x256xf32, #tpu.memory_space<vmem>>, vector<64x256xf32>
        %max3A_234 = vector.broadcast %get3A_184 : vector<1x256xf32> to vector<64x256xf32>
        %max3A_235 = arith.maximumf %get3A_233, %max3A_234 : vector<64x256xf32>
        %get3A_236 = arith.constant 320 : index
        %get3A_237 = arith.constant 0 : index
        %get3A_238 = vector.load %arg6[%get3A_236, %get3A_237] : memref<1024x256xf32, #tpu.memory_space<vmem>>, vector<64x256xf32>
        %max3A_239 = vector.broadcast %get3A_178 : vector<1x256xf32> to vector<64x256xf32>
        %max3A_240 = arith.maximumf %get3A_238, %max3A_239 : vector<64x256xf32>
        %sub3A_241 = arith.subf %max3A_235, %max3A_240 : vector<64x256xf32>
        %max3A_242 = arith.constant 0.000000e+00 : f32
        %max3A_243 = vector.broadcast %max3A_242 : f32 to vector<64x256xf32>
        %max3A_244 = arith.maximumf %sub3A_230, %max3A_243 : vector<64x256xf32>
        %max3A_245 = arith.constant 0.000000e+00 : f32
        %max3A_246 = vector.broadcast %max3A_245 : f32 to vector<64x256xf32>
        %max3A_247 = arith.maximumf %sub3A_241, %max3A_246 : vector<64x256xf32>
        %mul3A_248 = arith.mulf %max3A_244, %max3A_247 : vector<64x256xf32>
        %reduce_sum3A_249 = arith.constant dense<0.000000e+00> : vector<256xf32>
        %reduce_sum3A_250 = vector.multi_reduction <add>, %mul3A_248, %reduce_sum3A_249 [0] : vector<64x256xf32> to vector<256xf32>
        %broadcast_in_dim3A_251 = vector.shape_cast %reduce_sum3A_250 : vector<256xf32> to vector<1x256xf32>
        %add3A_252 = arith.addf %add3A_219, %broadcast_in_dim3A_251 : vector<1x256xf32>
        %get3A_253 = arith.constant 640 : index
        %get3A_254 = arith.constant 0 : index
        %get3A_255 = vector.load %arg6[%get3A_253, %get3A_254] : memref<1024x256xf32, #tpu.memory_space<vmem>>, vector<64x256xf32>
        %max3A_256 = vector.broadcast %get3A_181 : vector<1x256xf32> to vector<64x256xf32>
        %max3A_257 = arith.maximumf %get3A_255, %max3A_256 : vector<64x256xf32>
        %get3A_258 = arith.constant 128 : index
        %get3A_259 = arith.constant 0 : index
        %get3A_260 = vector.load %arg6[%get3A_258, %get3A_259] : memref<1024x256xf32, #tpu.memory_space<vmem>>, vector<64x256xf32>
        %max3A_261 = vector.broadcast %get3A_175 : vector<1x256xf32> to vector<64x256xf32>
        %max3A_262 = arith.maximumf %get3A_260, %max3A_261 : vector<64x256xf32>
        %sub3A_263 = arith.subf %max3A_257, %max3A_262 : vector<64x256xf32>
        %get3A_264 = arith.constant 896 : index
        %get3A_265 = arith.constant 0 : index
        %get3A_266 = vector.load %arg6[%get3A_264, %get3A_265] : memref<1024x256xf32, #tpu.memory_space<vmem>>, vector<64x256xf32>
        %max3A_267 = vector.broadcast %get3A_184 : vector<1x256xf32> to vector<64x256xf32>
        %max3A_268 = arith.maximumf %get3A_266, %max3A_267 : vector<64x256xf32>
        %get3A_269 = arith.constant 384 : index
        %get3A_270 = arith.constant 0 : index
        %get3A_271 = vector.load %arg6[%get3A_269, %get3A_270] : memref<1024x256xf32, #tpu.memory_space<vmem>>, vector<64x256xf32>
        %max3A_272 = vector.broadcast %get3A_178 : vector<1x256xf32> to vector<64x256xf32>
        %max3A_273 = arith.maximumf %get3A_271, %max3A_272 : vector<64x256xf32>
        %sub3A_274 = arith.subf %max3A_268, %max3A_273 : vector<64x256xf32>
        %max3A_275 = arith.constant 0.000000e+00 : f32
        %max3A_276 = vector.broadcast %max3A_275 : f32 to vector<64x256xf32>
        %max3A_277 = arith.maximumf %sub3A_263, %max3A_276 : vector<64x256xf32>
        %max3A_278 = arith.constant 0.000000e+00 : f32
        %max3A_279 = vector.broadcast %max3A_278 : f32 to vector<64x256xf32>
        %max3A_280 = arith.maximumf %sub3A_274, %max3A_279 : vector<64x256xf32>
        %mul3A_281 = arith.mulf %max3A_277, %max3A_280 : vector<64x256xf32>
        %reduce_sum3A_282 = arith.constant dense<0.000000e+00> : vector<256xf32>
        %reduce_sum3A_283 = vector.multi_reduction <add>, %mul3A_281, %reduce_sum3A_282 [0] : vector<64x256xf32> to vector<256xf32>
        %broadcast_in_dim3A_284 = vector.shape_cast %reduce_sum3A_283 : vector<256xf32> to vector<1x256xf32>
        %add3A_285 = arith.addf %add3A_252, %broadcast_in_dim3A_284 : vector<1x256xf32>
        %get3A_286 = arith.constant 704 : index
        %get3A_287 = arith.constant 0 : index
        %get3A_288 = vector.load %arg6[%get3A_286, %get3A_287] : memref<1024x256xf32, #tpu.memory_space<vmem>>, vector<64x256xf32>
        %max3A_289 = vector.broadcast %get3A_181 : vector<1x256xf32> to vector<64x256xf32>
        %max3A_290 = arith.maximumf %get3A_288, %max3A_289 : vector<64x256xf32>
        %get3A_291 = arith.constant 192 : index
        %get3A_292 = arith.constant 0 : index
        %get3A_293 = vector.load %arg6[%get3A_291, %get3A_292] : memref<1024x256xf32, #tpu.memory_space<vmem>>, vector<64x256xf32>
        %max3A_294 = vector.broadcast %get3A_175 : vector<1x256xf32> to vector<64x256xf32>
        %max3A_295 = arith.maximumf %get3A_293, %max3A_294 : vector<64x256xf32>
        %sub3A_296 = arith.subf %max3A_290, %max3A_295 : vector<64x256xf32>
        %get3A_297 = arith.constant 960 : index
        %get3A_298 = arith.constant 0 : index
        %get3A_299 = vector.load %arg6[%get3A_297, %get3A_298] : memref<1024x256xf32, #tpu.memory_space<vmem>>, vector<64x256xf32>
        %max3A_300 = vector.broadcast %get3A_184 : vector<1x256xf32> to vector<64x256xf32>
        %max3A_301 = arith.maximumf %get3A_299, %max3A_300 : vector<64x256xf32>
        %get3A_302 = arith.constant 448 : index
        %get3A_303 = arith.constant 0 : index
        %get3A_304 = vector.load %arg6[%get3A_302, %get3A_303] : memref<1024x256xf32, #tpu.memory_space<vmem>>, vector<64x256xf32>
        %max3A_305 = vector.broadcast %get3A_178 : vector<1x256xf32> to vector<64x256xf32>
        %max3A_306 = arith.maximumf %get3A_304, %max3A_305 : vector<64x256xf32>
        %sub3A_307 = arith.subf %max3A_301, %max3A_306 : vector<64x256xf32>
        %max3A_308 = arith.constant 0.000000e+00 : f32
        %max3A_309 = vector.broadcast %max3A_308 : f32 to vector<64x256xf32>
        %max3A_310 = arith.maximumf %sub3A_296, %max3A_309 : vector<64x256xf32>
        %max3A_311 = arith.constant 0.000000e+00 : f32
        %max3A_312 = vector.broadcast %max3A_311 : f32 to vector<64x256xf32>
        %max3A_313 = arith.maximumf %sub3A_307, %max3A_312 : vector<64x256xf32>
        %mul3A_314 = arith.mulf %max3A_310, %max3A_313 : vector<64x256xf32>
        %reduce_sum3A_315 = arith.constant dense<0.000000e+00> : vector<256xf32>
        %reduce_sum3A_316 = vector.multi_reduction <add>, %mul3A_314, %reduce_sum3A_315 [0] : vector<64x256xf32> to vector<256xf32>
        %broadcast_in_dim3A_317 = vector.shape_cast %reduce_sum3A_316 : vector<256xf32> to vector<1x256xf32>
        %add3A_318 = arith.addf %add3A_285, %broadcast_in_dim3A_317 : vector<1x256xf32>
        %eq3A = arith.cmpi eq, %while3A_168, %scan3A_118 : i32
        %select_n3A_319 = arith.select %eq3A, %broadcast_in_dim3A_94, %add3A_318 : vector<1x256xf32>
        %add3A_320 = arith.addf %while3A_169, %select_n3A_319 : vector<1x256xf32>
        %select_n3A_321 = arith.select %eq3A, %add3A_318, %broadcast_in_dim3A_94 : vector<1x256xf32>
        %add3A_322 = arith.addf %while3A_170, %select_n3A_321 : vector<1x256xf32>
        scf.yield %add3A_320, %add3A_322 : vector<1x256xf32>, vector<1x256xf32>
      }
      %while3A_166 = arith.constant 1 : i32
      %while3A_167:2 = scf.for %while3A_168 = %while3A_163 to %while3A_159 step %while3A_166 iter_args(%while3A_169 = %while3A_165#0, %while3A_170 = %while3A_165#1) -> (vector<1x256xf32>, vector<1x256xf32>)  : i32 {
        %mul3A_171 = arith.constant 256 : i32
        %mul3A_172 = arith.muli %while3A_168, %mul3A_171 : i32
        %get3A_173 = arith.constant 0 : index
        %get3A_174 = arith.index_cast %mul3A_172 : i32 to index
        %get3A_175 = vector.load %arg5[%get3A_173, %get3A_174] : memref<8x5120xf32, #tpu.memory_space<vmem>>, vector<1x256xf32>
        %get3A_176 = arith.constant 1 : index
        %get3A_177 = arith.index_cast %mul3A_172 : i32 to index
        %get3A_178 = vector.load %arg5[%get3A_176, %get3A_177] : memref<8x5120xf32, #tpu.memory_space<vmem>>, vector<1x256xf32>
        %get3A_179 = arith.constant 2 : index
        %get3A_180 = arith.index_cast %mul3A_172 : i32 to index
        %get3A_181 = vector.load %arg5[%get3A_179, %get3A_180] : memref<8x5120xf32, #tpu.memory_space<vmem>>, vector<1x256xf32>
        %get3A_182 = arith.constant 3 : index
        %get3A_183 = arith.index_cast %mul3A_172 : i32 to index
        %get3A_184 = vector.load %arg5[%get3A_182, %get3A_183] : memref<8x5120xf32, #tpu.memory_space<vmem>>, vector<1x256xf32>
        %broadcast_in_dim3A_185 = arith.constant 0.000000e+00 : f32
        %broadcast_in_dim3A_186 = vector.broadcast %broadcast_in_dim3A_185 : f32 to vector<1x256xf32>
        %get3A_187 = arith.constant 512 : index
        %get3A_188 = arith.constant 0 : index
        %get3A_189 = vector.load %arg6[%get3A_187, %get3A_188] : memref<1024x256xf32, #tpu.memory_space<vmem>>, vector<64x256xf32>
        %max3A_190 = vector.broadcast %get3A_181 : vector<1x256xf32> to vector<64x256xf32>
        %max3A_191 = arith.maximumf %get3A_189, %max3A_190 : vector<64x256xf32>
        %get3A_192 = arith.constant 0 : index
        %get3A_193 = arith.constant 0 : index
        %get3A_194 = vector.load %arg6[%get3A_192, %get3A_193] : memref<1024x256xf32, #tpu.memory_space<vmem>>, vector<64x256xf32>
        %max3A_195 = vector.broadcast %get3A_175 : vector<1x256xf32> to vector<64x256xf32>
        %max3A_196 = arith.maximumf %get3A_194, %max3A_195 : vector<64x256xf32>
        %sub3A_197 = arith.subf %max3A_191, %max3A_196 : vector<64x256xf32>
        %get3A_198 = arith.constant 768 : index
        %get3A_199 = arith.constant 0 : index
        %get3A_200 = vector.load %arg6[%get3A_198, %get3A_199] : memref<1024x256xf32, #tpu.memory_space<vmem>>, vector<64x256xf32>
        %max3A_201 = vector.broadcast %get3A_184 : vector<1x256xf32> to vector<64x256xf32>
        %max3A_202 = arith.maximumf %get3A_200, %max3A_201 : vector<64x256xf32>
        %get3A_203 = arith.constant 256 : index
        %get3A_204 = arith.constant 0 : index
        %get3A_205 = vector.load %arg6[%get3A_203, %get3A_204] : memref<1024x256xf32, #tpu.memory_space<vmem>>, vector<64x256xf32>
        %max3A_206 = vector.broadcast %get3A_178 : vector<1x256xf32> to vector<64x256xf32>
        %max3A_207 = arith.maximumf %get3A_205, %max3A_206 : vector<64x256xf32>
        %sub3A_208 = arith.subf %max3A_202, %max3A_207 : vector<64x256xf32>
        %max3A_209 = arith.constant 0.000000e+00 : f32
        %max3A_210 = vector.broadcast %max3A_209 : f32 to vector<64x256xf32>
        %max3A_211 = arith.maximumf %sub3A_197, %max3A_210 : vector<64x256xf32>
        %max3A_212 = arith.constant 0.000000e+00 : f32
        %max3A_213 = vector.broadcast %max3A_212 : f32 to vector<64x256xf32>
        %max3A_214 = arith.maximumf %sub3A_208, %max3A_213 : vector<64x256xf32>
        %mul3A_215 = arith.mulf %max3A_211, %max3A_214 : vector<64x256xf32>
        %reduce_sum3A_216 = arith.constant dense<0.000000e+00> : vector<256xf32>
        %reduce_sum3A_217 = vector.multi_reduction <add>, %mul3A_215, %reduce_sum3A_216 [0] : vector<64x256xf32> to vector<256xf32>
        %broadcast_in_dim3A_218 = vector.shape_cast %reduce_sum3A_217 : vector<256xf32> to vector<1x256xf32>
        %add3A_219 = arith.addf %broadcast_in_dim3A_186, %broadcast_in_dim3A_218 : vector<1x256xf32>
        %get3A_220 = arith.constant 576 : index
        %get3A_221 = arith.constant 0 : index
        %get3A_222 = vector.load %arg6[%get3A_220, %get3A_221] : memref<1024x256xf32, #tpu.memory_space<vmem>>, vector<64x256xf32>
        %max3A_223 = vector.broadcast %get3A_181 : vector<1x256xf32> to vector<64x256xf32>
        %max3A_224 = arith.maximumf %get3A_222, %max3A_223 : vector<64x256xf32>
        %get3A_225 = arith.constant 64 : index
        %get3A_226 = arith.constant 0 : index
        %get3A_227 = vector.load %arg6[%get3A_225, %get3A_226] : memref<1024x256xf32, #tpu.memory_space<vmem>>, vector<64x256xf32>
        %max3A_228 = vector.broadcast %get3A_175 : vector<1x256xf32> to vector<64x256xf32>
        %max3A_229 = arith.maximumf %get3A_227, %max3A_228 : vector<64x256xf32>
        %sub3A_230 = arith.subf %max3A_224, %max3A_229 : vector<64x256xf32>
        %get3A_231 = arith.constant 832 : index
        %get3A_232 = arith.constant 0 : index
        %get3A_233 = vector.load %arg6[%get3A_231, %get3A_232] : memref<1024x256xf32, #tpu.memory_space<vmem>>, vector<64x256xf32>
        %max3A_234 = vector.broadcast %get3A_184 : vector<1x256xf32> to vector<64x256xf32>
        %max3A_235 = arith.maximumf %get3A_233, %max3A_234 : vector<64x256xf32>
        %get3A_236 = arith.constant 320 : index
        %get3A_237 = arith.constant 0 : index
        %get3A_238 = vector.load %arg6[%get3A_236, %get3A_237] : memref<1024x256xf32, #tpu.memory_space<vmem>>, vector<64x256xf32>
        %max3A_239 = vector.broadcast %get3A_178 : vector<1x256xf32> to vector<64x256xf32>
        %max3A_240 = arith.maximumf %get3A_238, %max3A_239 : vector<64x256xf32>
        %sub3A_241 = arith.subf %max3A_235, %max3A_240 : vector<64x256xf32>
        %max3A_242 = arith.constant 0.000000e+00 : f32
        %max3A_243 = vector.broadcast %max3A_242 : f32 to vector<64x256xf32>
        %max3A_244 = arith.maximumf %sub3A_230, %max3A_243 : vector<64x256xf32>
        %max3A_245 = arith.constant 0.000000e+00 : f32
        %max3A_246 = vector.broadcast %max3A_245 : f32 to vector<64x256xf32>
        %max3A_247 = arith.maximumf %sub3A_241, %max3A_246 : vector<64x256xf32>
        %mul3A_248 = arith.mulf %max3A_244, %max3A_247 : vector<64x256xf32>
        %reduce_sum3A_249 = arith.constant dense<0.000000e+00> : vector<256xf32>
        %reduce_sum3A_250 = vector.multi_reduction <add>, %mul3A_248, %reduce_sum3A_249 [0] : vector<64x256xf32> to vector<256xf32>
        %broadcast_in_dim3A_251 = vector.shape_cast %reduce_sum3A_250 : vector<256xf32> to vector<1x256xf32>
        %add3A_252 = arith.addf %add3A_219, %broadcast_in_dim3A_251 : vector<1x256xf32>
        %get3A_253 = arith.constant 640 : index
        %get3A_254 = arith.constant 0 : index
        %get3A_255 = vector.load %arg6[%get3A_253, %get3A_254] : memref<1024x256xf32, #tpu.memory_space<vmem>>, vector<64x256xf32>
        %max3A_256 = vector.broadcast %get3A_181 : vector<1x256xf32> to vector<64x256xf32>
        %max3A_257 = arith.maximumf %get3A_255, %max3A_256 : vector<64x256xf32>
        %get3A_258 = arith.constant 128 : index
        %get3A_259 = arith.constant 0 : index
        %get3A_260 = vector.load %arg6[%get3A_258, %get3A_259] : memref<1024x256xf32, #tpu.memory_space<vmem>>, vector<64x256xf32>
        %max3A_261 = vector.broadcast %get3A_175 : vector<1x256xf32> to vector<64x256xf32>
        %max3A_262 = arith.maximumf %get3A_260, %max3A_261 : vector<64x256xf32>
        %sub3A_263 = arith.subf %max3A_257, %max3A_262 : vector<64x256xf32>
        %get3A_264 = arith.constant 896 : index
        %get3A_265 = arith.constant 0 : index
        %get3A_266 = vector.load %arg6[%get3A_264, %get3A_265] : memref<1024x256xf32, #tpu.memory_space<vmem>>, vector<64x256xf32>
        %max3A_267 = vector.broadcast %get3A_184 : vector<1x256xf32> to vector<64x256xf32>
        %max3A_268 = arith.maximumf %get3A_266, %max3A_267 : vector<64x256xf32>
        %get3A_269 = arith.constant 384 : index
        %get3A_270 = arith.constant 0 : index
        %get3A_271 = vector.load %arg6[%get3A_269, %get3A_270] : memref<1024x256xf32, #tpu.memory_space<vmem>>, vector<64x256xf32>
        %max3A_272 = vector.broadcast %get3A_178 : vector<1x256xf32> to vector<64x256xf32>
        %max3A_273 = arith.maximumf %get3A_271, %max3A_272 : vector<64x256xf32>
        %sub3A_274 = arith.subf %max3A_268, %max3A_273 : vector<64x256xf32>
        %max3A_275 = arith.constant 0.000000e+00 : f32
        %max3A_276 = vector.broadcast %max3A_275 : f32 to vector<64x256xf32>
        %max3A_277 = arith.maximumf %sub3A_263, %max3A_276 : vector<64x256xf32>
        %max3A_278 = arith.constant 0.000000e+00 : f32
        %max3A_279 = vector.broadcast %max3A_278 : f32 to vector<64x256xf32>
        %max3A_280 = arith.maximumf %sub3A_274, %max3A_279 : vector<64x256xf32>
        %mul3A_281 = arith.mulf %max3A_277, %max3A_280 : vector<64x256xf32>
        %reduce_sum3A_282 = arith.constant dense<0.000000e+00> : vector<256xf32>
        %reduce_sum3A_283 = vector.multi_reduction <add>, %mul3A_281, %reduce_sum3A_282 [0] : vector<64x256xf32> to vector<256xf32>
        %broadcast_in_dim3A_284 = vector.shape_cast %reduce_sum3A_283 : vector<256xf32> to vector<1x256xf32>
        %add3A_285 = arith.addf %add3A_252, %broadcast_in_dim3A_284 : vector<1x256xf32>
        %get3A_286 = arith.constant 704 : index
        %get3A_287 = arith.constant 0 : index
        %get3A_288 = vector.load %arg6[%get3A_286, %get3A_287] : memref<1024x256xf32, #tpu.memory_space<vmem>>, vector<64x256xf32>
        %max3A_289 = vector.broadcast %get3A_181 : vector<1x256xf32> to vector<64x256xf32>
        %max3A_290 = arith.maximumf %get3A_288, %max3A_289 : vector<64x256xf32>
        %get3A_291 = arith.constant 192 : index
        %get3A_292 = arith.constant 0 : index
        %get3A_293 = vector.load %arg6[%get3A_291, %get3A_292] : memref<1024x256xf32, #tpu.memory_space<vmem>>, vector<64x256xf32>
        %max3A_294 = vector.broadcast %get3A_175 : vector<1x256xf32> to vector<64x256xf32>
        %max3A_295 = arith.maximumf %get3A_293, %max3A_294 : vector<64x256xf32>
        %sub3A_296 = arith.subf %max3A_290, %max3A_295 : vector<64x256xf32>
        %get3A_297 = arith.constant 960 : index
        %get3A_298 = arith.constant 0 : index
        %get3A_299 = vector.load %arg6[%get3A_297, %get3A_298] : memref<1024x256xf32, #tpu.memory_space<vmem>>, vector<64x256xf32>
        %max3A_300 = vector.broadcast %get3A_184 : vector<1x256xf32> to vector<64x256xf32>
        %max3A_301 = arith.maximumf %get3A_299, %max3A_300 : vector<64x256xf32>
        %get3A_302 = arith.constant 448 : index
        %get3A_303 = arith.constant 0 : index
        %get3A_304 = vector.load %arg6[%get3A_302, %get3A_303] : memref<1024x256xf32, #tpu.memory_space<vmem>>, vector<64x256xf32>
        %max3A_305 = vector.broadcast %get3A_178 : vector<1x256xf32> to vector<64x256xf32>
        %max3A_306 = arith.maximumf %get3A_304, %max3A_305 : vector<64x256xf32>
        %sub3A_307 = arith.subf %max3A_301, %max3A_306 : vector<64x256xf32>
        %max3A_308 = arith.constant 0.000000e+00 : f32
        %max3A_309 = vector.broadcast %max3A_308 : f32 to vector<64x256xf32>
        %max3A_310 = arith.maximumf %sub3A_296, %max3A_309 : vector<64x256xf32>
        %max3A_311 = arith.constant 0.000000e+00 : f32
        %max3A_312 = vector.broadcast %max3A_311 : f32 to vector<64x256xf32>
        %max3A_313 = arith.maximumf %sub3A_307, %max3A_312 : vector<64x256xf32>
        %mul3A_314 = arith.mulf %max3A_310, %max3A_313 : vector<64x256xf32>
        %reduce_sum3A_315 = arith.constant dense<0.000000e+00> : vector<256xf32>
        %reduce_sum3A_316 = vector.multi_reduction <add>, %mul3A_314, %reduce_sum3A_315 [0] : vector<64x256xf32> to vector<256xf32>
        %broadcast_in_dim3A_317 = vector.shape_cast %reduce_sum3A_316 : vector<256xf32> to vector<1x256xf32>
        %add3A_318 = arith.addf %add3A_285, %broadcast_in_dim3A_317 : vector<1x256xf32>
        %eq3A = arith.cmpi eq, %while3A_168, %scan3A_118 : i32
        %select_n3A_319 = arith.select %eq3A, %broadcast_in_dim3A_94, %add3A_318 : vector<1x256xf32>
        %add3A_320 = arith.addf %while3A_169, %select_n3A_319 : vector<1x256xf32>
        %select_n3A_321 = arith.select %eq3A, %add3A_318, %broadcast_in_dim3A_94 : vector<1x256xf32>
        %add3A_322 = arith.addf %while3A_170, %select_n3A_321 : vector<1x256xf32>
        scf.yield %add3A_320, %add3A_322 : vector<1x256xf32>, vector<1x256xf32>
      }
      scf.yield %while3A_167#0, %while3A_167#1 : vector<1x256xf32>, vector<1x256xf32>
    }
    %scan3A_99 = arith.constant 14 : i32
    %reduce_sum3A_100 = vector.shape_cast %scan3A_98#0 : vector<1x256xf32> to vector<1x1x256xf32>
    %reduce_sum3A_101 = arith.constant dense<0.000000e+00> : vector<1xf32>
    %reduce_sum3A_102 = vector.multi_reduction <add>, %reduce_sum3A_100, %reduce_sum3A_101 [1, 2] : vector<1x1x256xf32> to vector<1xf32>
    %reduce_sum3A_103 = vector.shape_cast %reduce_sum3A_102 : vector<1xf32> to vector<1x1x1xf32>
    %reduce_sum3A_104 = vector.extract %reduce_sum3A_103[0, 0, 0] : f32 from vector<1x1x1xf32>
    %reduce_sum3A_105 = vector.shape_cast %scan3A_98#1 : vector<1x256xf32> to vector<1x1x256xf32>
    %reduce_sum3A_106 = arith.constant dense<0.000000e+00> : vector<1xf32>
    %reduce_sum3A_107 = vector.multi_reduction <add>, %reduce_sum3A_105, %reduce_sum3A_106 [1, 2] : vector<1x1x256xf32> to vector<1xf32>
    %reduce_sum3A_108 = vector.shape_cast %reduce_sum3A_107 : vector<1xf32> to vector<1x1x1xf32>
    %reduce_sum3A_109 = vector.extract %reduce_sum3A_108[0, 0, 0] : f32 from vector<1x1x1xf32>
    %sub3A_110 = arith.subf %reduce_sum3A_109, %reduce_sum3A_92 : f32
    %mul3A_111 = arith.constant 5.000000e-01 : f32
    %mul3A_112 = arith.mulf %sub3A_110, %mul3A_111 : f32
    %add3A_113 = arith.addf %reduce_sum3A_104, %mul3A_112 : f32
    %reshape3A_114 = vector.broadcast %add3A_113 : f32 to vector<1x1xf32>
    %swap3A_115 = arith.constant 0 : index
    %swap3A_116 = arith.constant 0 : index
    %swap3A_117 = vector.load %arg2[%swap3A_115, %swap3A_116] : memref<1x1xf32, #tpu.memory_space<vmem>>, vector<1x1xf32>
    tpu.vector_store %arg2[%swap3A_115, %swap3A_116], %reshape3A_114 {strides = array<i32>} : memref<1x1xf32, #tpu.memory_space<vmem>>, vector<1x1xf32>,
    return
  }
}

</mosaic_0001>

<sc_bundles>
// kernel: kernel.4.cloned.1.call-start
scs
__scs_entry_jumppad:
0x0: {  	(pc) =	sbr.rel $0x88, $3  }
0x1: {  	(tag) =	ssettag $0x0;
	lr =	simm.s32 $0x1  }
0x2: {  	[smem:$0x3F9F] =	sst lr;
	_ =	strace $0xD0000000  }
0x3: {  	_ = 	snop  }
0x4: {  	_ = 	snop  }
0x5: {  	_ = 	snop  }
0x6: {  	_ = 	snop  }
0x7: {  	_ = 	snop  }
__scs_overlays_trampoline_lowered:
0x8: {  	[smem:$0x3FAE] =	sst s0  }
0x9: {  	[smem:$0x3FAF] =	sst s1  }
0xa: {  	[smem:$0x3FB0] =	sst s2  }
0xb: {  	[smem:$0x3FB1] =	sst s3  }
0xc: {  	[smem:$0x3FB2] =	sst s4  }
0xd: {  	[smem:$0x3FB3] =	sst s5  }
0xe: {  	[smem:$0x3FB4] =	sst s6  }
0xf: {  	[smem:$0x3FB5] =	sst s7  }
0x10: {  	[smem:$0x3FB6] =	sst s8  }
0x11: {  	[smem:$0x3FB7] =	sst s9;
	s0 =	simm.s32 @!p0 $0x0  }
0x12: {  	s1 =	sld [smem:$0x3F9D];
	s0 =	simm.s32 @p0 $0x1  }
0x13: {  	[smem:$0x3FB8] =	sst s0;
	s0 =	simm.s32 @!p1 $0x0  }
0x14: {  	s2 =	sld [smem:$0x3F9C];
	s0 =	simm.s32 @p1 $0x1  }
0x15: {  	[smem:$0x3FB9] =	sst s0;
	s0 =	simm.s32 @!p2 $0x0  }
0x16: {  	s3 =	sld [smem:$0x3FDB];
	s0 =	simm.s32 @p2 $0x1  }
0x17: {  	s4 =	simm.s32 $0x1BF5;
	[smem:$0x3FBB] =	sst s0  }
0x18: {  	s0 =	sld [smem:$0x3F9E];
	_ =	swait.ge [sflag:s4], $0x0  }
0x19: {  	s7 =	sld [smem:$0x3F9F]  }
0x1a: {  	s8 =	sadd.s32 $0xFFFFE003, lr  }
0x1b: {  	s9 =	sadd.s32 $0xFFFFFEF7, lr;
	s5 =	simm.s32 $0xFFFFFFFF;
	p2 =	slt.u32 s8, $0xFFFFF086  }
0x1c: {  	p1 =	slt.u32 s9, $0xF7A;
	s5 =	simm.s32 @!p2 $0x0  }
0x1d: {  	s5 =	simm.s32 @p1 $0x1;
	p0 =	seq.s32 s7, s2  }
0x1e: {  	s7 =	smul.u32 @!p0 $0xF7A, s2;
	p2 =	seq.s32 @!p0 s5, $0x0  }
0x1f: {  	s9 =	smul.u32 $0xF7A, s1;
	s8 =	simm.s32 @!p0 $0x1BF5;
	p2 =	por !p2, p0  }
0x20: {  	[sflag:s8] =	ssyncset.s32 @!p0 $0xFFFFF086;
	s6 =	sadd.s32 @!p0 s3, s7;
	s7 =	simm.s32 @!p0 $0x108  }
0x21: {  	s3 =	sadd.s32 s3, s9;
	s6 =	sadd.s32 @!p0 $0x88, s6;
	s7 =	simm.s32 @p2 $0x1082  }
0x22: {  	[simem:s7], [sflag:s8] =	dma.local @!p0 [hbm:s6], $0xF7A  }
0x23: {  	s9 =	sor.u32 $0xD0000000, s2;
	s6 =	simm.s32 $0x108;
	_ =	swait.ge @!p0 [sflag:s8], $0x0  }
0x24: {  	s3 =	sadd.s32 $0x88, s3;
	s6 =	simm.s32 @!p1 $0x1082;
	[sflag:s4] =	ssyncset.s32 $0xFFFFF086  }
0x25: {  	[simem:s6], [sflag:s4] =	dma.local [hbm:s3], $0xF7A  }
0x26: {  	[smem:$0x3F9F] =	sst s1;
	(tag) =	ssettag s2;
	_ =	strace s9  }
0x27: {  	s1 =	sld [smem:$0x3FAF]  }
0x28: {  	s2 =	sld [smem:$0x3FB0]  }
0x29: {  	s4 =	sld [smem:$0x3FB2]  }
0x2a: {  	p0 =	seq.s32 s5, $0x0;
	s5 =	sld [smem:$0x3FB3]  }
0x2b: {  	s6 =	sld [smem:$0x3FB4]  }
0x2c: {  	s7 =	sld [smem:$0x3FB5]  }
0x2d: {  	s3 =	simm.s32 $0x108;
	s8 =	sld [smem:$0x3FB6]  }
0x2e: {  	s3 =	simm.s32 @!p0 $0x1082;
	s9 =	sld [smem:$0x3FB7]  }
0x2f: {  	lr =	sadd.s32 s0, s3;
	s0 =	sld [smem:$0x3FAE]  }
0x30: {  	s3 =	sld [smem:$0x3FB1]  }
0x31: {  	[smem:$0x3FBA] =	sst s10  }
0x32: {  	s10 =	sld [smem:$0x3FB8];
	_ =	sdelay $0x3  }
0x33: {  	p0 =	seq.s32 s10, $0x1;
	s10 =	sld [smem:$0x3FBA];
	_ =	sdelay $0x3  }
0x34: {  	[smem:$0x3FBA] =	sst s10  }
0x35: {  	s10 =	sld [smem:$0x3FB9];
	_ =	sdelay $0x3  }
0x36: {  	p1 =	seq.s32 s10, $0x1;
	s10 =	sld [smem:$0x3FBA];
	_ =	sdelay $0x3  }
0x37: {  	[smem:$0x3FBA] =	sst s10  }
0x38: {  	s10 =	sld [smem:$0x3FBB]  }
0x39: {  	_ = 	snop;
	(pc) =	sbr.ind lr, $3  }
0x3a: {  	_ = 	snop  }
0x3b: {  	_ = 	snop  }
0x3c: {  	p2 =	seq.s32 s10, $0x1;
	s10 =	sld [smem:$0x3FBA]  }
0x3d: {  	_ =	shalt  }
0x3e: {  	_ =	shalt  }
0x3f: {  	_ =	shalt  }
0x40: {  	_ =	shalt  }
0x41: {  	_ =	shalt  }
0x42: {  	_ =	shalt  }
0x43: {  	_ =	shalt  }
0x44: {  	_ =	shalt  }
0x45: {  	_ =	shalt  }
0x46: {  	_ =	shalt  }
0x47: {  	_ =	shalt  }
0x48: {  	_ =	shalt  }
0x49: {  	_ =	shalt  }
0x4a: {  	_ =	shalt  }
0x4b: {  	_ =	shalt  }
0x4c: {  	_ =	shalt  }
0x4d: {  	_ =	shalt  }
0x4e: {  	_ =	shalt  }
0x4f: {  	_ =	shalt  }
0x50: {  	_ =	shalt  }
0x51: {  	_ =	shalt  }
0x52: {  	_ =	shalt  }
0x53: {  	_ =	shalt  }
0x54: {  	_ =	shalt  }
0x55: {  	_ =	shalt  }
0x56: {  	_ =	shalt  }
0x57: {  	_ =	shalt  }
0x58: {  	_ =	shalt  }
0x59: {  	_ =	shalt  }
0x5a: {  	_ =	shalt  }
0x5b: {  	_ =	shalt  }
0x5c: {  	_ =	shalt  }
0x5d: {  	_ =	shalt  }
0x5e: {  	_ =	shalt  }
0x5f: {  	_ =	shalt  }
0x60: {  	_ =	shalt  }
0x61: {  	_ =	shalt  }
0x62: {  	_ =	shalt  }
0x63: {  	_ =	shalt  }
0x64: {  	_ =	shalt  }
0x65: {  	_ =	shalt  }
0x66: {  	_ =	shalt  }
0x67: {  	_ =	shalt  }
0x68: {  	_ =	shalt  }
0x69: {  	_ =	shalt  }
0x6a: {  	_ =	shalt  }
0x6b: {  	_ =	shalt  }
0x6c: {  	_ =	shalt  }
0x6d: {  	_ =	shalt  }
0x6e: {  	_ =	shalt  }
0x6f: {  	_ =	shalt  }
0x70: {  	_ =	shalt  }
0x71: {  	_ =	shalt  }
0x72: {  	_ =	shalt  }
0x73: {  	_ =	shalt  }
0x74: {  	_ =	shalt  }
0x75: {  	_ =	shalt  }
0x76: {  	_ =	shalt  }
0x77: {  	_ =	shalt  }
0x78: {  	_ =	shalt  }
0x79: {  	_ =	shalt  }
0x7a: {  	_ =	shalt  }
0x7b: {  	_ =	shalt  }
0x7c: {  	_ =	shalt  }
0x7d: {  	_ =	shalt  }
0x7e: {  	_ =	shalt  }
0x7f: {  	_ =	shalt  }
0x80: {  	_ =	shalt  }
0x81: {  	_ =	shalt  }
0x82: {  	_ =	shalt  }
0x83: {  	_ =	shalt  }
0x84: {  	_ =	shalt  }
0x85: {  	_ =	shalt  }
0x86: {  	_ =	shalt  }
0x87: {  	_ =	shalt  }
.Lfunc_end0:
.L_simem_size_0:
called_computation_lowered:
.L_overlay_start_0:
0x88: {  	s2 =	sld [smem:$0x3FD9]  }
0x89: {  	s3 =	sld [smem:$0x3FFE];
	_ =	sdelay $0x1  }
0x8a: {  	s1 =	srdreg.scid  }
0x8b: {  	s0 =	sand.u32 $0x1, s1  }
0x8c: {  	s16 =	sshll.u32 s0, $0xA;
	s2 =	sadd.s32 s3, s2  }
0x8d: {  	s2 =	sadd.s32 s2, s16  }
0x8e: {  	[smem:$0x3FC6] =	sst s2  }
0x8f: {  	_ = 	snop  }
0x90: {  	(tm) =	ssettm $0x1  }
0x91: {  	s17 =	sld [smem:$0x3FFB];
	_ =	sdelay $0x3  }
0x92: {  	_ =	strace s17  }
0x93: {  	s2 =	sld [smem:$0x3FFC];
	_ =	sdelay $0x3  }
0x94: {  	_ =	strace s2  }
0x95: {  	s2 =	sld [smem:$0x3FFD];
	_ =	sdelay $0x3  }
0x96: {  	_ =	strace s2  }
0x97: {  	_ =	strace $0x8FFFFFFF  }
0x98: {  	s18 =	sld [smem:$0x3FDB];
	_ =	sdelay $0x1  }
0x99: {  	s19 =	simm.s32 $_scs_section_size  }
0x9a: {  	s4 =	simm.s32 $_size__tile_overlayer_lowered;
	s5 =	simm.s32 $_tile_overlayer_lowered  }
0x9b: {  	s22 =	simm.s32 $0x1BFF;
	s21 =	sshll.u32 s5, $0x1;
	s2 =	sadd.s32 s19, s18  }
0x9c: {  	s6 =	simm.s32 $0x0;
	s20 =	sshll.u32 s4, $0x1;
	s4 =	sadd.s32 s21, s2  }
0x9d: {  	[timem:s6], [sflag:s22] =	dma.local [hbm:s4], s20  }
0x9e: {  	_ =	swait.ge [sflag:s22], s20  }
0x9f: {  	s3 =	ssub.s32 $0x0, s20;
	[sflag:s22] =	ssyncset.done $0x0  }
0xa0: {  	[sflag:s22] =	ssyncadd.s32 s3;
	_ =	sdelay $0x1  }
0xa1: {  	s23 =	simm.s32 $0x1B8B  }
0xa2: {  	_ =	swait.ge [sflag:s23], $0x1  }
0xa3: {  	[sflag:s23] =	ssyncset.done $0x0  }
0xa4: {  	s25 =	simm.s32 $0x1B8E;
	s24 =	sld [smem:$0x3FFE];
	[sflag:s23] =	ssyncadd.s32 $0xFFFFFFFF  }
0xa5: {  	s26 =	simm.s32 $execute0_lowered;
	[smem:$0x3FD2] =	sst s25  }
0xa6: {  	s4 =	sshll.u32 s26, $0x1;
	_ =	strace $0x80000046;
	[dreg:$0x1] =	wrdreg $0xFFFFFFFF  }
0xa7: {  	s28 =	simm.s32 $_size_execute0_lowered;
	s2 =	sadd.s32 s2, s4;
	[dreg:$0x0] =	wrdreg $0x0  }
0xa8: {  	s4 =	sshll.u32 s28, $0x1;
	[dreg:$0x2] =	wrdreg s2  }
0xa9: {  	[dreg:$0x3] =	wrdreg s4  }
0xaa: {  	[dreg:$0x4] =	wrdreg $0xC0  }
0xab: {  	_ =	task [dreg:s6], $0x5FFFF  }
0xac: {  	[dreg:$0x1] =	wrdreg $0xFFFFFFFF  }
0xad: {  	[dreg:$0x0] =	wrdreg $0x60  }
0xae: {  	[dreg:$0x2] =	wrdreg s24  }
0xaf: {  	[dreg:$0x3] =	wrdreg $0x9  }
0xb0: {  	_ =	task.clear_ibuf [dreg:s6], $0x4FFFF;
	_ =	strace $0x90000046  }
0xb1: {  	s29 =	simm.s32 $0x9;
	_ =	strace $0x80000048  }
0xb2: {  	_ =	swait.ge [sflag:s29], $0x1  }
0xb3: {  	[sflag:s29] =	ssyncadd.s32 $0xFFFFFFFF  }
0xb4: {  	_ =	strace $0x90000048  }
0xb5: {  	_ =	sfence  }
0xb6: {  	s30 =	sld [smem:$0x0];
	_ =	sdelay $0x2  }
0xb7: {  	s31 =	sshll.u32 s1, $0xD;
	s1 =	sshrl.u32 s1, $0x2  }
0xb8: {  	s3 =	sand.u32 $0x4000, s31;
	s1 =	sadd.s32 s1, s30  }
0xb9: {  	s0 =	sor.u32 s3, s0;
	s1 =	sshll.u32 s1, $0x11  }
0xba: {  	s0 =	sor.u32 s1, s0  }
0xbb: {  	s0 =	sadd.s32 $0x8F2B, s0  }
0xbc: {  	[sflag:s0] =	ssyncadd.remote.s32 $0x1  }
0xbd: {  	_ =	sfence.sel $0xFFFF  }
0xbe: {  	[dreg:$0x0] =	wrdreg $0xFFFFFFFF;
	(pc) =	sbr.abs _section_cstart, $3  }
0xbf: {  	[dreg:$0x1] =	wrdreg $0xFFFFFFFF  }
0xc0: {  	_ =	task.clear_ibuf [dreg:s6], $0x2FFFF;
	_ =	strace $0x9FFFFFFF  }
0xc1: {  	(tm) =	ssettm $0x7FFFFFFF  }
tec
execute0_lowered:
.L_overlay_start_1:
0x0: {  	(tag) =	ssettag $0x1  }
0x1: {  	s5 =	rddreg [dreg:$0x0]  }
0x2: {  	s0 =	rddreg [dreg:$0x1];
	s2 =	simm.s32 $0x0  }
0x3: {  	s3 =	srdreg.scid;
	s1 =	stileid.u32;
	s9 =	simm.s32 $0x80  }
0x4: {  	s10 =	simm.s32 $0x5080;
	s12 =	simm.s32 $0x0;
	[smem:$0x7FF] =	sst s2  }
0x5: {  	s3 =	sand.u32 $0x1, s3;
	s4 =	sshll.u32 s1, $0x1;
	_ =	strace $0x80000047  }
.Ltmp0:
0x6: {  	s11 =	sor.u32 s3, s4;
	s6 =	ssub.s32 $0x2, s3;
	(pc) =	sbr.rel .LBB2_1-.Ltmp0, $4  }
0x7: {  	s3 =	sadd.s32 $0x1400, s5;
	s4 =	sadd.s32 $0xA00, s5;
	s7 =	sshll.u32 s11, $0x4  }
0x8: {  	s8 =	sshrl.u32 s6, $0x1;
	p0 =	sne.s32 s11, $0x0;
	s7 =	sadd.s32 s7, s5  }
0x9: {  	s8 =	ssub.s32 s6, s8;
	s5 =	sor.u32 $0xE00, s11;
	s11 =	simm.s32 $0xA080  }
0xa: {  	s6 =	sadd.s32 $0x1600, s7;
	s7 =	smax.u32 s8, $0x1;
	s8 =	simm.s32 $0x1  }
.LBB2_9:
.Ltmp1:
0xb: {  	(pc) =	sbr.rel @!p0 .LBB2_10-.Ltmp1, $1  }
0xc: {  	_ =	sdelay $0x3  }
.LBB2_13:
0xd: {  	s12 =	sadd.s32 $0x1, s12  }
0xe: {  	p1 =	sne.s32 s12, s7  }
.Ltmp2:
0xf: {  	[tilespmem:$0xA080] =	vst v20;
	(pc) =	sbr.rel @!p1 .LBB2_14-.Ltmp2, $4  }
0x10: {  	[hbm4b:s6+s2] =	stream.linear.scatter [tilespmem:s11], [sflag:$0x1], $0x80, $0x38;
	[tilespmem:$0xA100] =	vst v63  }
0x11: {  	_ =	swait.ge [sflag:s8], $0x80  }
0x12: {  	[sflag:s8] =	ssyncset.done $0x0  }
0x13: {  	[sflag:s8] =	ssyncadd.s32 $0xFFFFFF80  }
.LBB2_1:
0x14: {  	[tilespmem:s2], [sflag:$0x1] =	stream.linear.gather [hbm4b:s3+s2], $0x80, $0x38;
	[tilespmem:$0xA100] =	vst v63  }
0x15: {  	_ =	swait.ge [sflag:s8], $0x80  }
0x16: {  	[sflag:s8] =	ssyncset.done $0x0  }
0x17: {  	[sflag:s8] =	ssyncadd.s32 $0xFFFFFF80  }
0x18: {  	[tilespmem:s9], [sflag:$0x1] =	stream.linear.gather [hbm4b:s4+s2], $0x5000, $0x38;
	[tilespmem:$0xA100] =	vst v63  }
0x19: {  	_ =	swait.ge [sflag:s8], $0x5000  }
0x1a: {  	[sflag:s8] =	ssyncset.done $0x0  }
0x1b: {  	s13 =	simm.s32 $0xE00;
	[sflag:s8] =	ssyncadd.s32 $0xFFFFB000  }
0x1c: {  	s14 =	sand.u32 $0x1FF0, s13;
	v3 =	vld [tilespmem:$0x0]  }
0x1d: {  	v4 =	vld [tilespmem:s14+$0x3C80]  }
0x1e: {  	v7 =	vld [tilespmem:s14+$0x1480]  }
0x1f: {  	s13 =	simm.s32 $0xE80;
	v8 =	vld [tilespmem:s14+$0x2880]  }
0x20: {  	v6 =	vld [tilespmem:s13+$0x0];
	_ =	sdelay $0x1  }
0x21: {  	v2 =	vbroadcast v3, $0x0;
	v1 =	vbroadcast v3, $0x3  }
0x22: {  	v0 =	vbroadcast v3, $0x1;
	v3 =	vbroadcast v3, $0x2  }
0x23: {  	v5 =	vmin.f32 v1, v4  }
0x24: {  	v6 =	vmax.f32 v2, v6;
	v4 =	vmax.f32 v0, v7;
	v7 =	vmin.f32 v3, v8  }
0x25: {  	v8 =	vsub.f32 v7, v6;
	v9 =	vsub.f32 v5, v4;
	_ =	sdelay $0x1  }
0x26: {  	v8 =	vadd.f32 $1.000000000e+00, v8;
	v9 =	vadd.f32 $1.000000000e+00, v9;
	_ =	sdelay $0x1  }
0x27: {  	v8 =	vmax.f32 v8, $0.0e+00;
	v9 =	vmax.f32 v9, $0.0e+00  }
0x28: {  	s16 =	simm.s32 $0x5E80;
	s17 =	simm.s32 $0xE10;
	s15 =	simm.s32 $0x5E80;
	v8 =	vmul.f32 v9, v8  }
.LBB2_2:
0x29: {  	_ = 	snop  }
0x2a: {  	p1 =	sne.s32 s17, $0x13F0;
	s13 =	sadd.s32 $0x10, s13;
	s16 =	sadd.s32 $0x10, s16;
	vm0 =	vgt.f32 v8, $0.0e+00  }
0x2b: {  	v7 =	vadd.f32 $1.000000000e+00, v7;
	v5 =	vadd.f32 $1.000000000e+00, v5;
	s18 =	smov.u32 s17;
	s17 =	sadd.s32 $0x10, s17;
	v6 =	vnsel vm0, $0x4E6E6B28, v6  }
0x2c: {  	s18 =	sand.u32 $0x1FF0, s18;
	v4 =	vnsel vm0, $0x4E6E6B28, v4;
	[tilespmem:s15+$0x0] =	vst v6;
	s15 =	smov.u32 s16  }
0x2d: {  	v5 =	vnsel vm0, $0xCE6E6B28, v5;
	v6 =	vld [tilespmem:s18+$0x3C80];
	[tilespmem:s14+$0x6480] =	vst v4;
	v4 =	vnsel vm0, $0xCE6E6B28, v7  }
0x2e: {  	v7 =	vld [tilespmem:s18+$0x1480];
	[tilespmem:s14+$0x8C80] =	vst v5  }
0x2f: {  	v8 =	vld [tilespmem:s18+$0x2880];
	[tilespmem:s14+$0x7880] =	vst v4;
	s14 =	smov.u32 s18  }
0x30: {  	v4 =	vld [tilespmem:s13+$0x0];
	_ =	sdelay $0x3  }
0x31: {  	v5 =	vmin.f32 v1, v6  }
0x32: {  	v6 =	vmax.f32 v2, v4;
	v4 =	vmax.f32 v0, v7;
	v7 =	vmin.f32 v3, v8  }
0x33: {  	v8 =	vsub.f32 v7, v6;
	v9 =	vsub.f32 v5, v4  }
.Ltmp3:
0x34: {  	(pc) =	sbr.rel @p1 .LBB2_2-.Ltmp3, $3  }
0x35: {  	v8 =	vadd.f32 $1.000000000e+00, v8;
	v9 =	vadd.f32 $1.000000000e+00, v9;
	_ =	sdelay $0x1  }
0x36: {  	v8 =	vmax.f32 v8, $0.0e+00;
	v9 =	vmax.f32 v9, $0.0e+00  }
0x37: {  	v8 =	vmul.f32 v9, v8  }
0x38: {  	_ = 	snop  }
0x39: {  	vm0 =	vgt.f32 v8, $0.0e+00  }
.Ltmp4:
0x3a: {  	v5 =	vadd.f32 $1.000000000e+00, v5;
	v6 =	vnsel vm0, $0x4E6E6B28, v6;
	(pc) =	sbr.rel .LBB2_4-.Ltmp4, $4  }
0x3b: {  	v7 =	vadd.f32 $1.000000000e+00, v7;
	v4 =	vnsel vm0, $0x4E6E6B28, v4;
	[tilespmem:s15+$0x0] =	vst v6  }
0x3c: {  	[tilespmem:s14+$0x6480] =	vst v4;
	v4 =	vnsel vm0, $0xCE6E6B28, v5  }
0x3d: {  	s13 =	simm.s32 $0x0;
	v5 =	vnsel vm0, $0xCE6E6B28, v7;
	[tilespmem:s14+$0x8C80] =	vst v4  }
0x3e: {  	v20 =	vimm.f32 $0.0e+00;
	s16 =	simm.s32 $0xE7;
	s15 =	simm.s32 $0xE80;
	[tilespmem:s14+$0x7880] =	vst v5;
	s14 =	simm.s32 $0x5F00  }
.LBB2_7:
0x3f: {  	v4 =	vmax.f32 v27, $0.0e+00;
	v5 =	vmax.f32 v28, $0.0e+00;
	v6 =	vmax.f32 v29, $0.0e+00  }
0x40: {  	v62 =	vsub.f32 v23, v21;
	v4 =	vmul.f32 v4, v30;
	v5 =	vmul.f32 v6, v5  }
0x41: {  	v7 =	vmax.f32 v25, $0.0e+00;
	v8 =	vmax.f32 v26, $0.0e+00;
	v9 =	vsub.f32 v22, v24  }
0x42: {  	v4 =	vadd.f32 v5, v4;
	v5 =	vmul.f32 v8, v7  }
0x43: {  	v6 =	vmax.f32 v62, $0.0e+00;
	v63 =	vmax.f32 v9, $0.0e+00  }
0x44: {  	v4 =	vadd.f32 v4, v5;
	v5 =	vmul.f32 v63, v6;
	_ =	sdelay $0x1  }
0x45: {  	v4 =	vadd.f32 v4, v5;
	_ =	sdelay $0x1  }
0x46: {  	v20 =	vadd.f32 v4, v20  }
.LBB2_8:
0x47: {  	s13 =	sadd.s32 $0x1, s13  }
0x48: {  	p1 =	sne.s32 s13, $0xC  }
.Ltmp5:
0x49: {  	_ = 	snop;
	(pc) =	sbr.rel @!p1 .LBB2_9-.Ltmp5, $2  }
0x4a: {  	_ =	sdelay $0x2  }
0x4b: {  	s16 =	sadd.s32 $0x8, s16;
	s15 =	sadd.s32 $0x80, s15;
	s14 =	sadd.s32 $0x80, s14  }
.LBB2_4:
0x4c: {  	s17 =	sshll.u32 s13, $0x7  }
0x4d: {  	s17 =	sadd.s32 s5, s17  }
0x4e: {  	s19 =	sand.u32 $0x3FFFFF80, s17  }
0x4f: {  	s30 =	sand.u32 $0x1F80, s17;
	v21 =	vld [tilespmem:s19+$0x5080]  }
0x50: {  	v22 =	vld [tilespmem:s30+$0x7880]  }
0x51: {  	v4 =	vmov s17;
	v23 =	vld [tilespmem:s30+$0x6480]  }
0x52: {  	v5 =	vadd.s32 $0x1400, v4;
	v24 =	vld [tilespmem:s30+$0x8C80]  }
0x53: {  	v6 =	vadd.s32 $0x2800, v4;
	v56 =	vld [tilespmem:s19+$0x5090]  }
0x54: {  	s18 =	sor.u32 $0x20, s17;
	v7 =	vadd.s32 $0x3C00, v4;
	v57 =	vld [tilespmem:s30+$0x6490]  }
0x55: {  	v10 =	vmov s18;
	v60 =	vld [tilespmem:s30+$0x7890]  }
0x56: {  	v9 =	vadd.s32 $0x1400, v10;
	v4 =	vld.idx.msk [tilespmem:v4+s10+$0x0], $0xffff  }
0x57: {  	v11 =	vadd.s32 $0x2800, v10;
	v5 =	vld.idx.msk [tilespmem:v5+s10+$0x0], $0xffff  }
0x58: {  	s20 =	sor.u32 $0x40, s17;
	v12 =	vadd.s32 $0x3C00, v10;
	v6 =	vld.idx.msk [tilespmem:v6+s10+$0x0], $0xffff  }
0x59: {  	v13 =	vmov s20;
	v7 =	vld.idx.msk [tilespmem:v7+s10+$0x0], $0xffff  }
0x5a: {  	v14 =	vadd.s32 $0x1400, v13;
	v8 =	vld.idx.msk [tilespmem:v10+s10+$0x0], $0xffff  }
0x5b: {  	v15 =	vadd.s32 $0x2800, v13;
	v9 =	vld.idx.msk [tilespmem:v9+s10+$0x0], $0xffff  }
0x5c: {  	s31 =	sor.u32 $0x60, s17;
	v16 =	vadd.s32 $0x3C00, v13;
	v10 =	vld.idx.msk [tilespmem:v11+s10+$0x0], $0xffff  }
0x5d: {  	v17 =	vmov s31;
	v11 =	vld.idx.msk [tilespmem:v12+s10+$0x0], $0xffff  }
0x5e: {  	v12 =	vld.idx.msk [tilespmem:v13+s10+$0x0], $0xffff  }
0x5f: {  	v13 =	vld.idx.msk [tilespmem:v14+s10+$0x0], $0xffff  }
0x60: {  	v25 =	vadd.s32 $0x1400, v17;
	v14 =	vld.idx.msk [tilespmem:v15+s10+$0x0], $0xffff  }
0x61: {  	v26 =	vadd.s32 $0x2800, v17;
	v15 =	vld.idx.msk [tilespmem:v16+s10+$0x0], $0xffff;
	v19 =	vmax.f32 v4, v21;
	v63 =	vmax.f32 v4, v56  }
0x62: {  	v16 =	vld.idx.msk [tilespmem:v17+s10+$0x0], $0xffff;
	v18 =	vmax.f32 v6, v22;
	v27 =	vmax.f32 v7, v24;
	v28 =	vmax.f32 v5, v23  }
0x63: {  	v61 =	vld [tilespmem:s30+$0x8C90];
	v29 =	vmax.f32 v8, v21;
	v62 =	vmax.f32 v6, v60;
	v32 =	vmax.f32 v5, v57  }
0x64: {  	v34 =	vmax.f32 v8, v56;
	v18 =	vsub.f32 v18, v19;
	v19 =	vadd.s32 $0x3C00, v17  }
0x65: {  	v27 =	vsub.f32 v27, v28;
	v45 =	vmax.f32 v10, v22;
	v30 =	vmax.f32 v11, v24  }
0x66: {  	v40 =	vld [tilespmem:s30+$0x64A0];
	v31 =	vmax.f32 v9, v23;
	v50 =	vmax.f32 v14, v22;
	v51 =	vmax.f32 v12, v21  }
0x67: {  	v43 =	vld [tilespmem:s30+$0x8CA0];
	v52 =	vmax.f32 v15, v24;
	v53 =	vmax.f32 v13, v23;
	v21 =	vmax.f32 v16, v21  }
0x68: {  	v41 =	vld [tilespmem:s30+$0x78A0];
	v33 =	vmax.f32 v10, v60;
	v36 =	vmax.f32 v11, v61;
	v37 =	vmax.f32 v9, v57  }
0x69: {  	v38 =	vmax.f32 v14, v60;
	v28 =	vsub.f32 v45, v29;
	v46 =	vsub.f32 v30, v31  }
0x6a: {  	v54 =	vsub.f32 v50, v51;
	v55 =	vsub.f32 v52, v53;
	v31 =	vmax.f32 v7, v61  }
0x6b: {  	v35 =	vsub.f32 v33, v34;
	v33 =	vmax.f32 v15, v61;
	v34 =	vmax.f32 v13, v57  }
0x6c: {  	v17 =	vld.idx.msk [tilespmem:v25+s10+$0x0], $0xffff;
	v45 =	vmax.f32 v16, v56;
	v50 =	vmax.f32 v7, v43;
	v51 =	vmax.f32 v5, v40  }
0x6d: {  	v52 =	vmax.f32 v10, v41;
	v18 =	vmax.f32 v18, $0.0e+00;
	v27 =	vmax.f32 v27, $0.0e+00  }
0x6e: {  	v39 =	vsub.f32 v33, v34;
	v47 =	vmul.f32 v27, v18;
	v48 =	vmax.f32 v28, $0.0e+00  }
0x6f: {  	v18 =	vld.idx.msk [tilespmem:v26+s10+$0x0], $0xffff;
	v49 =	vmax.f32 v46, $0.0e+00;
	v58 =	vmax.f32 v54, $0.0e+00;
	v28 =	vsub.f32 v50, v51  }
0x70: {  	v59 =	vmax.f32 v55, $0.0e+00;
	v26 =	vmul.f32 v49, v48;
	v42 =	vmax.f32 v39, $0.0e+00;
	v19 =	vld.idx.msk [tilespmem:v19+s10+$0x0], $0xffff  }
0x71: {  	v48 =	vmax.f32 v6, v41;
	v23 =	vmax.f32 v17, v23;
	v28 =	vmax.f32 v28, $0.0e+00  }
0x72: {  	v33 =	vmax.f32 v17, v40;
	v25 =	vadd.f32 v26, v47;
	v26 =	vmul.f32 v59, v58  }
0x73: {  	v47 =	vmax.f32 v17, v57;
	v57 =	vmax.f32 v9, v40;
	v58 =	vmax.f32 v14, v41  }
0x74: {  	v22 =	vmax.f32 v18, v22;
	v44 =	vmax.f32 v18, v60;
	v60 =	vmax.f32 v15, v43  }
0x75: {  	v21 =	vsub.f32 v22, v21;
	v22 =	vmax.f32 v19, v24;
	v24 =	vsub.f32 v62, v63  }
0x76: {  	v46 =	vmax.f32 v19, v61;
	v22 =	vsub.f32 v22, v23;
	v23 =	vadd.f32 v25, v26  }
0x77: {  	v25 =	vsub.f32 v31, v32;
	v26 =	vsub.f32 v36, v37;
	v32 =	vmax.f32 v12, v56  }
0x78: {  	v62 =	vld [tilespmem:s30+$0x78B0];
	v56 =	vmax.f32 v11, v43;
	v36 =	vmax.f32 v13, v40;
	v31 =	vsub.f32 v38, v32  }
0x79: {  	v21 =	vmax.f32 v21, $0.0e+00;
	v29 =	vsub.f32 v56, v57;
	v61 =	vsub.f32 v60, v36  }
0x7a: {  	v22 =	vmax.f32 v22, $0.0e+00;
	v25 =	vmax.f32 v25, $0.0e+00;
	v26 =	vmax.f32 v26, $0.0e+00  }
0x7b: {  	v34 =	vld [tilespmem:s19+$0x50B0];
	v21 =	vmul.f32 v22, v21;
	v22 =	vmax.f32 v24, $0.0e+00;
	v24 =	vmax.f32 v35, $0.0e+00  }
0x7c: {  	v32 =	vld [tilespmem:s30+$0x64B0];
	v29 =	vmax.f32 v29, $0.0e+00;
	v36 =	vmax.f32 v61, $0.0e+00;
	v22 =	vmul.f32 v25, v22  }
0x7d: {  	v35 =	vld [tilespmem:s19+$0x50A0];
	v24 =	vmul.f32 v26, v24;
	v25 =	vmax.f32 v18, v41;
	v41 =	vmax.f32 v6, v62  }
0x7e: {  	v21 =	vadd.f32 v23, v21;
	v23 =	vmax.f32 v31, $0.0e+00;
	v31 =	vmax.f32 v19, v43  }
0x7f: {  	v22 =	vadd.f32 v24, v22;
	v23 =	vmul.f32 v42, v23;
	v24 =	vsub.f32 v46, v47  }
0x80: {  	v40 =	vsub.f32 v31, v33;
	v42 =	vmax.f32 v4, v34;
	v46 =	vmax.f32 v8, v34  }
0x81: {  	v56 =	vmax.f32 v13, v32;
	v21 =	vmul.f32 $5.000000000e-01, v21;
	v22 =	vadd.f32 v22, v23  }
0x82: {  	v23 =	vsub.f32 v44, v45;
	v49 =	vmax.f32 v4, v35;
	v53 =	vmax.f32 v8, v35  }
0x83: {  	v59 =	vmax.f32 v12, v35;
	v24 =	vmax.f32 v24, $0.0e+00;
	v38 =	vmax.f32 v16, v35  }
0x84: {  	v44 =	vmax.f32 v5, v32;
	v27 =	vsub.f32 v48, v49;
	v55 =	vsub.f32 v52, v53  }
0x85: {  	v45 =	vmax.f32 v10, v62;
	v30 =	vsub.f32 v58, v59;
	v39 =	vsub.f32 v25, v38  }
0x86: {  	v25 =	vmax.f32 v40, $0.0e+00;
	v48 =	vmax.f32 v9, v32;
	v53 =	vmax.f32 v14, v62  }
0x87: {  	v20 =	vadd.f32 v21, v20;
	v62 =	vmax.f32 v18, v62;
	v23 =	vmax.f32 v23, $0.0e+00  }
0x88: {  	v54 =	vmax.f32 v27, $0.0e+00;
	v27 =	vmax.f32 v55, $0.0e+00;
	v63 =	vmax.f32 v30, $0.0e+00  }
0x89: {  	v59 =	vld [tilespmem:s30+$0x78C0];
	v23 =	vmul.f32 v24, v23;
	v24 =	vmax.f32 v39, $0.0e+00;
	v26 =	vmul.f32 v28, v54  }
0x8a: {  	v30 =	vsub.f32 v45, v46;
	v27 =	vmul.f32 v29, v27;
	v37 =	vmul.f32 v36, v63  }
0x8b: {  	v29 =	vld [tilespmem:s30+$0x8CB0];
	v24 =	vmul.f32 v25, v24;
	v54 =	vmax.f32 v12, v34;
	v63 =	vmax.f32 v16, v34  }
0x8c: {  	v34 =	vmax.f32 v17, v32;
	v22 =	vadd.f32 v22, v23;
	v57 =	vsub.f32 v53, v54  }
0x8d: {  	v36 =	vld [tilespmem:s30+$0x64C0];
	v51 =	vmax.f32 v30, $0.0e+00;
	v26 =	vadd.f32 v27, v26;
	v27 =	vsub.f32 v41, v42  }
0x8e: {  	v35 =	vmax.f32 v6, v59;
	v21 =	vmul.f32 $5.000000000e-01, v22;
	v60 =	vmax.f32 v57, $0.0e+00  }
0x8f: {  	v30 =	vld [tilespmem:s19+$0x50C0];
	v57 =	vmax.f32 v18, v59;
	v26 =	vadd.f32 v26, v37;
	v27 =	vmax.f32 v27, $0.0e+00  }
0x90: {  	v43 =	vmax.f32 v7, v29;
	v47 =	vmax.f32 v11, v29;
	v55 =	vmax.f32 v15, v29  }
0x91: {  	v33 =	vmax.f32 v19, v29;
	v20 =	vadd.f32 v21, v20;
	v25 =	vsub.f32 v43, v44  }
0x92: {  	v39 =	vmax.f32 v5, v36;
	v49 =	vsub.f32 v47, v48;
	v23 =	vadd.f32 v26, v24  }
0x93: {  	v46 =	vmax.f32 v9, v36;
	v58 =	vsub.f32 v55, v56;
	v26 =	vsub.f32 v62, v63  }
0x94: {  	v37 =	vmax.f32 v4, v30;
	v43 =	vmax.f32 v10, v59;
	v44 =	vmax.f32 v8, v30  }
0x95: {  	v47 =	vmax.f32 v14, v59;
	v48 =	vmax.f32 v12, v30;
	v30 =	vmax.f32 v16, v30  }
0x96: {  	v54 =	vld [tilespmem:s30+$0x8CD0];
	v63 =	vmax.f32 v17, v36;
	v28 =	vsub.f32 v35, v37;
	v32 =	vsub.f32 v47, v48  }
0x97: {  	v25 =	vmax.f32 v25, $0.0e+00;
	v52 =	vmax.f32 v49, $0.0e+00;
	v22 =	vmul.f32 $5.000000000e-01, v23  }
0x98: {  	v37 =	vld [tilespmem:s30+$0x64D0];
	v61 =	vmax.f32 v58, $0.0e+00;
	v26 =	vmax.f32 v26, $0.0e+00;
	v50 =	vmul.f32 v25, v27  }
0x99: {  	v23 =	vld [tilespmem:s30+$0x8CC0];
	v25 =	vmul.f32 v52, v51;
	v27 =	vsub.f32 v33, v34;
	v41 =	vmax.f32 v28, $0.0e+00  }
0x9a: {  	v49 =	vld [tilespmem:s19+$0x50D0];
	v28 =	vsub.f32 v43, v44;
	v51 =	vmax.f32 v13, v36;
	v55 =	vmax.f32 v32, $0.0e+00  }
0x9b: {  	v36 =	vmax.f32 v11, v54;
	v20 =	vadd.f32 v22, v20;
	v24 =	vadd.f32 v25, v50  }
0x9c: {  	v52 =	vld [tilespmem:s30+$0x78D0];
	v25 =	vmul.f32 v61, v60;
	v27 =	vmax.f32 v27, $0.0e+00;
	v28 =	vmax.f32 v28, $0.0e+00  }
0x9d: {  	v60 =	vmax.f32 v7, v54;
	v40 =	vmul.f32 v27, v26;
	v61 =	vmax.f32 v5, v37  }
0x9e: {  	v38 =	vmax.f32 v7, v23;
	v24 =	vadd.f32 v24, v25;
	v45 =	vmax.f32 v11, v23  }
0x9f: {  	v50 =	vmax.f32 v15, v23;
	v59 =	vmax.f32 v4, v49;
	v62 =	vsub.f32 v60, v61  }
0xa0: {  	v23 =	vmax.f32 v19, v23;
	v29 =	vsub.f32 v38, v39;
	v33 =	vsub.f32 v50, v51  }
0xa1: {  	v31 =	vld [tilespmem:s19+$0x50E0];
	v58 =	vmax.f32 v6, v52;
	v23 =	vsub.f32 v23, v63;
	v32 =	vmax.f32 v10, v52  }
0xa2: {  	v38 =	vmax.f32 v9, v37;
	v39 =	vmax.f32 v14, v52;
	v51 =	vmax.f32 v19, v54  }
0xa3: {  	v24 =	vadd.f32 v24, v40;
	v42 =	vmax.f32 v29, $0.0e+00;
	v29 =	vsub.f32 v45, v46  }
0xa4: {  	v26 =	vmax.f32 v62, $0.0e+00;
	v40 =	vmax.f32 v12, v49;
	v56 =	vmax.f32 v33, $0.0e+00  }
0xa5: {  	v33 =	vmax.f32 v8, v49;
	v23 =	vmax.f32 v23, $0.0e+00;
	v29 =	vmax.f32 v29, $0.0e+00  }
0xa6: {  	v46 =	vmax.f32 v4, v31;
	v21 =	vmul.f32 v42, v41;
	v53 =	vmul.f32 v29, v28  }
0xa7: {  	v25 =	vmul.f32 v56, v55;
	v22 =	vmul.f32 $5.000000000e-01, v24;
	v24 =	vsub.f32 v57, v30  }
0xa8: {  	v41 =	vmax.f32 v15, v54;
	v42 =	vmax.f32 v13, v37;
	v21 =	vadd.f32 v53, v21  }
0xa9: {  	v49 =	vmax.f32 v16, v49;
	v54 =	vmax.f32 v8, v31;
	v30 =	vsub.f32 v41, v42  }
0xaa: {  	v62 =	vld [tilespmem:s30+$0x64F0];
	v24 =	vmax.f32 v24, $0.0e+00;
	v21 =	vadd.f32 v21, v25;
	v25 =	vsub.f32 v58, v59  }
0xab: {  	v63 =	vld [tilespmem:s30+$0x78F0];
	v28 =	vsub.f32 v36, v38;
	v29 =	vsub.f32 v39, v40;
	v23 =	vmul.f32 v23, v24  }
0xac: {  	v20 =	vadd.f32 v22, v20;
	v44 =	vmax.f32 v30, $0.0e+00;
	v59 =	vld [tilespmem:s19+$0x50F0];
	v25 =	vmax.f32 v25, $0.0e+00  }
0xad: {  	v21 =	vadd.f32 v21, v23;
	v23 =	vmax.f32 v18, v52;
	v52 =	vmax.f32 v17, v37;
	v37 =	vld [tilespmem:s30+$0x8CF0]  }
0xae: {  	v43 =	vmax.f32 v29, $0.0e+00;
	v25 =	vmul.f32 v26, v25;
	v26 =	vsub.f32 v32, v33;
	v33 =	vld [tilespmem:s30+$0x64E0]  }
0xaf: {  	v41 =	vmax.f32 v5, v62;
	v28 =	vmax.f32 v28, $0.0e+00;
	v24 =	vmul.f32 v44, v43;
	v32 =	vld [tilespmem:s30+$0x78E0]  }
0xb0: {  	v43 =	vmax.f32 v10, v63;
	v58 =	vmax.f32 v12, v31;
	v23 =	vsub.f32 v23, v49  }
0xb1: {  	v49 =	vmax.f32 v16, v31;
	v21 =	vmul.f32 $5.000000000e-01, v21;
	v26 =	vmax.f32 v26, $0.0e+00  }
0xb2: {  	v23 =	vmax.f32 v23, $0.0e+00;
	v39 =	vmax.f32 v4, v59;
	v26 =	vmul.f32 v28, v26  }
0xb3: {  	v44 =	vmax.f32 v8, v59;
	v20 =	vadd.f32 v21, v20;
	v40 =	vmax.f32 v7, v37  }
0xb4: {  	v25 =	vadd.f32 v26, v25;
	v45 =	vmax.f32 v6, v32;
	v48 =	vmax.f32 v5, v33  }
0xb5: {  	v28 =	vld [tilespmem:s30+$0x8CE0];
	v26 =	vsub.f32 v51, v52;
	v53 =	vmax.f32 v10, v32;
	v56 =	vmax.f32 v9, v33  }
0xb6: {  	v57 =	vmax.f32 v14, v32;
	v61 =	vmax.f32 v13, v33;
	v42 =	vsub.f32 v40, v41  }
0xb7: {  	v52 =	vmax.f32 v14, v63;
	v29 =	vsub.f32 v57, v58;
	v57 =	vmax.f32 v18, v63  }
0xb8: {  	v58 =	vmax.f32 v16, v59;
	v22 =	vadd.f32 v25, v24;
	v24 =	vsub.f32 v45, v46  }
0xb9: {  	v26 =	vmax.f32 v26, $0.0e+00;
	v45 =	vmax.f32 v11, v37;
	v46 =	vmax.f32 v9, v62  }
0xba: {  	v47 =	vmax.f32 v7, v28;
	v55 =	vmax.f32 v11, v28;
	v60 =	vmax.f32 v15, v28  }
0xbb: {  	v29 =	vmax.f32 v29, $0.0e+00;
	v23 =	vmul.f32 v26, v23;
	v28 =	vmax.f32 v19, v28  }
0xbc: {  	v50 =	vsub.f32 v47, v48;
	v24 =	vmax.f32 v24, $0.0e+00;
	v27 =	vsub.f32 v55, v56  }
0xbd: {  	v30 =	vsub.f32 v60, v61;
	v47 =	vsub.f32 v45, v46;
	v48 =	vmax.f32 v18, v32  }
0xbe: {  	v55 =	vmax.f32 v13, v62;
	v21 =	vadd.f32 v22, v23;
	v25 =	vmax.f32 v50, $0.0e+00  }
0xbf: {  	v23 =	vmax.f32 v6, v63;
	v24 =	vmul.f32 v25, v24;
	v25 =	vsub.f32 v53, v54  }
0xc0: {  	v27 =	vmax.f32 v27, $0.0e+00;
	v30 =	vmax.f32 v30, $0.0e+00;
	v23 =	vsub.f32 v23, v39  }
0xc1: {  	v50 =	vmax.f32 v17, v33;
	v26 =	vmax.f32 v47, $0.0e+00;
	v25 =	vmax.f32 v25, $0.0e+00  }
0xc2: {  	v38 =	vmul.f32 v30, v29;
	v29 =	vsub.f32 v48, v49;
	v25 =	vmul.f32 v27, v25  }
0xc3: {  	v28 =	vsub.f32 v28, v50;
	v53 =	vmax.f32 v12, v59;
	v54 =	vmax.f32 v15, v37  }
0xc4: {  	v59 =	vmax.f32 v17, v62;
	v24 =	vadd.f32 v25, v24;
	v25 =	vsub.f32 v43, v44  }
0xc5: {  	v30 =	vsub.f32 v57, v58;
	v23 =	vmax.f32 v23, $0.0e+00;
	v56 =	vsub.f32 v54, v55  }
0xc6: {  	v29 =	vmax.f32 v29, $0.0e+00;
	v22 =	vadd.f32 v24, v38;
	v25 =	vmax.f32 v25, $0.0e+00  }
0xc7: {  	v24 =	vmax.f32 v42, $0.0e+00;
	v51 =	vmul.f32 v26, v25;
	v25 =	vsub.f32 v52, v53  }
0xc8: {  	v28 =	vmax.f32 v28, $0.0e+00;
	v27 =	vmax.f32 v19, v37;
	v23 =	vmul.f32 v24, v23  }
0xc9: {  	v27 =	vsub.f32 v27, v59;
	v26 =	vmax.f32 v56, $0.0e+00;
	v25 =	vmax.f32 v25, $0.0e+00  }
0xca: {  	v28 =	vmul.f32 v28, v29;
	v23 =	vadd.f32 v51, v23;
	v60 =	vmul.f32 v26, v25  }
0xcb: {  	v21 =	vmul.f32 $5.000000000e-01, v21;
	v61 =	vmax.f32 v30, $0.0e+00;
	v62 =	vmax.f32 v27, $0.0e+00  }
0xcc: {  	v63 =	vmul.f32 v62, v61;
	v22 =	vadd.f32 v22, v28;
	v23 =	vadd.f32 v23, v60;
	_ =	sdelay $0x1  }
0xcd: {  	p1 =	sgt.u32 s17, $0x137F;
	v20 =	vadd.f32 v21, v20;
	v21 =	vmul.f32 $5.000000000e-01, v22;
	v22 =	vadd.f32 v23, v63  }
.Ltmp6:
0xce: {  	_ = 	snop;
	(pc) =	sbr.rel @p1 .LBB2_8-.Ltmp6, $2  }
0xcf: {  	v20 =	vadd.f32 v21, v20;
	v21 =	vmul.f32 $5.000000000e-01, v22;
	_ =	sdelay $0x1  }
0xd0: {  	v20 =	vadd.f32 v21, v20;
	_ =	sdelay $0x1  }
0xd1: {  	v22 =	vld [tilespmem:s14+$0x0];
	s17 =	sand.u32 $0x1FF0, s15  }
0xd2: {  	v25 =	vld [tilespmem:s17+$0x7880]  }
0xd3: {  	v26 =	vld [tilespmem:s17+$0x8C80]  }
0xd4: {  	v30 =	vld [tilespmem:s17+$0x6480];
	_ =	sdelay $0x1  }
0xd5: {  	v21 =	vmax.f32 v16, v22;
	v27 =	vmax.f32 v4, v22  }
0xd6: {  	s17 =	sadd.s32 $0x1, s16;
	v28 =	vmax.f32 v8, v22;
	v31 =	vmax.f32 v12, v22;
	v23 =	vmax.f32 v18, v25  }
0xd7: {  	p1 =	slt.u32 s17, $0x13F;
	v22 =	vmax.f32 v19, v26;
	v32 =	vmax.f32 v14, v25;
	v33 =	vmax.f32 v15, v26  }
.Ltmp7:
0xd8: {  	v24 =	vmax.f32 v17, v30;
	v29 =	vmax.f32 v6, v25;
	v34 =	vmax.f32 v7, v26;
	(pc) =	sbr.rel @!p1 .LBB2_7-.Ltmp7, $4  }
0xd9: {  	v35 =	vmax.f32 v5, v30;
	v25 =	vmax.f32 v10, v25;
	v26 =	vmax.f32 v11, v26  }
0xda: {  	v36 =	vsub.f32 v29, v27;
	v27 =	vsub.f32 v34, v35;
	v29 =	vmax.f32 v9, v30  }
0xdb: {  	v28 =	vsub.f32 v25, v28;
	v29 =	vsub.f32 v26, v29;
	v26 =	vmax.f32 v13, v30  }
0xdc: {  	s18 =	sadd.s32 $0x10, s15;
	s19 =	sadd.s32 $0x10, s14;
	v25 =	vsub.f32 v32, v31;
	v30 =	vmax.f32 v36, $0.0e+00;
	v26 =	vsub.f32 v33, v26  }
.LBB2_6:
0xdd: {  	v31 =	vld [tilespmem:s19+$0x0];
	s20 =	sand.u32 $0x1FF0, s18;
	v27 =	vmax.f32 v27, $0.0e+00;
	v28 =	vmax.f32 v28, $0.0e+00;
	v29 =	vmax.f32 v29, $0.0e+00  }
0xde: {  	v21 =	vsub.f32 v23, v21;
	v32 =	vld [tilespmem:s20+$0x7880];
	v27 =	vmul.f32 v27, v30;
	v28 =	vmul.f32 v29, v28  }
0xdf: {  	v23 =	vmax.f32 v25, $0.0e+00;
	v25 =	vmax.f32 v26, $0.0e+00;
	v22 =	vsub.f32 v22, v24;
	v29 =	vld [tilespmem:s20+$0x8C80]  }
0xe0: {  	v23 =	vmul.f32 v25, v23;
	v26 =	vld [tilespmem:s20+$0x6480];
	v24 =	vadd.f32 v28, v27  }
0xe1: {  	v25 =	vmax.f32 v21, $0.0e+00;
	v22 =	vmax.f32 v22, $0.0e+00  }
0xe2: {  	s17 =	sadd.s32 $0x1, s17;
	v25 =	vmul.f32 v22, v25;
	v21 =	vmax.f32 v16, v31;
	v24 =	vadd.f32 v24, v23  }
0xe3: {  	p1 =	slt.u32 s17, $0x13F;
	v27 =	vmax.f32 v4, v31;
	v28 =	vmax.f32 v8, v31;
	v31 =	vmax.f32 v12, v31  }
0xe4: {  	v23 =	vmax.f32 v18, v32;
	v22 =	vmax.f32 v19, v29;
	v25 =	vadd.f32 v24, v25  }
0xe5: {  	v33 =	vmax.f32 v14, v32;
	v34 =	vmax.f32 v15, v29;
	v24 =	vmax.f32 v17, v26  }
.Ltmp8:
0xe6: {  	v30 =	vmax.f32 v6, v32;
	v35 =	vmax.f32 v7, v29;
	v20 =	vadd.f32 v25, v20;
	(pc) =	sbr.rel @p1 .LBB2_6-.Ltmp8, $4  }
0xe7: {  	v32 =	vmax.f32 v10, v32;
	v29 =	vmax.f32 v11, v29;
	v25 =	vmax.f32 v5, v26  }
0xe8: {  	v30 =	vsub.f32 v30, v27;
	v27 =	vsub.f32 v35, v25;
	v25 =	vmax.f32 v9, v26  }
0xe9: {  	v28 =	vsub.f32 v32, v28;
	v26 =	vmax.f32 v13, v26;
	v29 =	vsub.f32 v29, v25  }
0xea: {  	s18 =	sadd.s32 $0x10, s18;
	s19 =	sadd.s32 $0x10, s19;
	v30 =	vmax.f32 v30, $0.0e+00;
	v25 =	vsub.f32 v33, v31;
	v26 =	vsub.f32 v34, v26  }
.Ltmp9:
0xeb: {  	_ = 	snop;
	(pc) =	sbr.rel .LBB2_7-.Ltmp9, $1  }
0xec: {  	_ =	sdelay $0x3  }
.LBB2_10:
0xed: {  	s13 =	simm.s32 $0xE00;
	s14 =	simm.s32 $0xE80  }
0xee: {  	v4 =	vld [tilespmem:s14+$0x0];
	s13 =	sand.u32 $0x1FF0, s13  }
0xef: {  	v5 =	vld [tilespmem:s13+$0x1480]  }
0xf0: {  	v6 =	vld [tilespmem:s13+$0x2880]  }
0xf1: {  	v7 =	vld [tilespmem:s13+$0x3C80];
	_ =	sdelay $0x1  }
0xf2: {  	s26 =	simm.s32 $0xE10;
	s28 =	simm.s32 $0xE90  }
0xf3: {  	v8 =	vld [tilespmem:s28+$0x0];
	s13 =	sand.u32 $0x1FF0, s26  }
0xf4: {  	v10 =	vld [tilespmem:s13+$0x2880];
	v4 =	vmax.f32 v2, v4;
	v6 =	vmin.f32 v3, v6  }
0xf5: {  	v11 =	vld [tilespmem:s13+$0x3C80];
	v7 =	vmin.f32 v1, v7;
	v5 =	vmax.f32 v0, v5;
	v4 =	vsub.f32 v6, v4  }
0xf6: {  	v9 =	vld [tilespmem:s13+$0x1480];
	v5 =	vsub.f32 v7, v5  }
0xf7: {  	v4 =	vadd.f32 $1.000000000e+00, v4  }
0xf8: {  	s29 =	simm.s32 $0xE20;
	s30 =	simm.s32 $0xEA0;
	v5 =	vadd.f32 $1.000000000e+00, v5  }
0xf9: {  	s31 =	sand.u32 $0x1FF0, s29;
	v6 =	vmax.f32 v2, v8;
	v8 =	vmax.f32 v4, $0.0e+00;
	v4 =	vld [tilespmem:s30+$0x0]  }
0xfa: {  	v7 =	vmin.f32 v3, v10;
	v11 =	vmin.f32 v1, v11;
	v10 =	vmax.f32 v5, $0.0e+00;
	v5 =	vld [tilespmem:s31+$0x1480]  }
0xfb: {  	v9 =	vmax.f32 v0, v9;
	v8 =	vmul.f32 v10, v8;
	v10 =	vsub.f32 v7, v6;
	v6 =	vld [tilespmem:s31+$0x2880]  }
0xfc: {  	v11 =	vsub.f32 v11, v9;
	v7 =	vld [tilespmem:s31+$0x3C80]  }
0xfd: {  	v8 =	vmul.f32 $-5.000000000e-01, v8  }
0xfe: {  	s14 =	simm.s32 $0xEB0;
	s13 =	simm.s32 $0xE30;
	v9 =	vadd.f32 $1.000000000e+00, v10;
	v10 =	vadd.f32 $1.000000000e+00, v11  }
.LBB2_11:
0xff: {  	s15 =	sand.u32 $0x1FF0, s13;
	v11 =	vmax.f32 v2, v4;
	v4 =	vld [tilespmem:s14+$0x0];
	v20 =	vadd.f32 v8, v20;
	v8 =	vmov v5;
	p1 =	sne.s32 s13, $0x13F0  }
.Ltmp10:
0x100: {  	v5 =	vld [tilespmem:s15+$0x1480];
	v12 =	vmin.f32 v3, v6;
	v9 =	vmax.f32 v9, $0.0e+00;
	v10 =	vmax.f32 v10, $0.0e+00;
	(pc) =	sbr.rel @p1 .LBB2_11-.Ltmp10, $4  }
0x101: {  	s13 =	sadd.s32 $0x10, s13;
	v8 =	vmax.f32 v0, v8;
	v6 =	vld [tilespmem:s15+$0x2880];
	v13 =	vmin.f32 v1, v7;
	v9 =	vmul.f32 v10, v9  }
0x102: {  	v10 =	vsub.f32 v12, v11;
	v7 =	vld [tilespmem:s15+$0x3C80];
	v11 =	vsub.f32 v13, v8  }
0x103: {  	v8 =	vmul.f32 $-5.000000000e-01, v9  }
0x104: {  	s14 =	sadd.s32 $0x10, s14;
	v9 =	vadd.f32 $1.000000000e+00, v10;
	v10 =	vadd.f32 $1.000000000e+00, v11  }
0x105: {  	_ = 	snop  }
0x106: {  	v2 =	vmax.f32 v2, v4  }
0x107: {  	v0 =	vmax.f32 v0, v5;
	v3 =	vmin.f32 v3, v6;
	v1 =	vmin.f32 v1, v7  }
0x108: {  	v2 =	vsub.f32 v3, v2;
	v0 =	vsub.f32 v1, v0  }
0x109: {  	v61 =	vmax.f32 v9, $0.0e+00  }
0x10a: {  	v62 =	vmax.f32 v10, $0.0e+00;
	v2 =	vadd.f32 $1.000000000e+00, v2;
	v0 =	vadd.f32 $1.000000000e+00, v0  }
0x10b: {  	v1 =	vmul.f32 v62, v61  }
0x10c: {  	v2 =	vmax.f32 v2, $0.0e+00;
	v0 =	vmax.f32 v0, $0.0e+00  }
.Ltmp11:
0x10d: {  	v63 =	vadd.f32 v8, v20;
	v1 =	vmul.f32 $-5.000000000e-01, v1;
	v0 =	vmul.f32 v0, v2;
	(pc) =	sbr.rel .LBB2_13-.Ltmp11, $3  }
0x10e: {  	_ = 	snop  }
0x10f: {  	v1 =	vadd.f32 v1, v63;
	v0 =	vmul.f32 $-5.000000000e-01, v0;
	_ =	sdelay $0x1  }
0x110: {  	v20 =	vadd.f32 v0, v1  }
.LBB2_14:
0x111: {  	_ =	sfence.sel $0x180000  }
0x112: {  	[bflag:$0x0] =	sbarrier.arrive $0xFFFF  }
0x113: {  	p0 =	sne.s32 s1, $0x0;
	_ =	strace $0x90000047  }
0x114: {  	s0 =	sadd.s32 @!p0 $0x100000, s0;
	[bflag:$0x2] =	sbarrier.arrive $0xFFFF  }
0x115: {  	[sflag:s0] =	ssyncadd.tile.s32 @!p0 $0x1;
	_ =	shalt  }
.Lfunc_end2:
_tile_overlayer_lowered:
.L_overlay_start_2:
0x116: {  	(tag) =	ssettag $0x2  }
0x117: {  	s0 =	rddreg [dreg:$0x0];
	s2 =	stileid.u32  }
0x118: {  	s1 =	rddreg [dreg:$0x1];
	p0 =	sne.s32 s2, $0x0  }
0x119: {  	s3 =	rddreg [dreg:$0x2];
	[bflag:$0x3] =	sbarrier.arrive $0xFFFF;
	s2 =	simm.s32 @!p0 $0x1C01  }
0x11a: {  	[timem:s3], [sflag:s2] =	dma.local @!p0 [hbm:s0], s1  }
0x11b: {  	s0 =	simm.s32 @!p0 $0x1  }
0x11c: {  	_ =	swait.ge @!p0 [sflag:s0], s1  }
0x11d: {  	s1 =	ssub.s32 @!p0 $0x0, s1;
	[sflag:s0] =	ssyncset.done @!p0 $0x0  }
0x11e: {  	[sflag:s0] =	ssyncadd.s32 @!p0 s1  }
0x11f: {  	[bflag:$0x3] =	sbarrier.arrive $0xFFFF  }
0x120: {  	_ =	shalt  }

</sc_bundles>
